<compile_context>
chip_gen: v7x
topology: tpu7x:2x2x1
jax: 0.10.2.dev20260603
libtpu: 0.0.44.dev20260713+nightly
codegen_flags: <defaults>
</compile_context>

<pallas_src>
import functools

import jax
import jax.numpy as jnp
from jax import lax
from jax.experimental import pallas as pl
from jax.experimental.pallas import tpu as pltpu
from jax.experimental.pallas import tpu_sc as plsc

_L = 16


@functools.lru_cache(maxsize=None)
def _make_sc_kernel(batch: int, embed: int):
    mesh = plsc.VectorSubcoreMesh(core_axis_name="c", subcore_axis_name="s")
    nw = mesh.num_cores * mesh.num_subcores
    assert batch % (8 * nw) == 0 and embed % _L == 0
    bpw = batch // nw

    def body(ui_hbm, mi_hbm, ue_hbm, me_hbm, ub_hbm, mb_hbm, out_hbm,
             ui_v, mi_v, ue_v, me_v, ub_v, mb_v, out_v, sem):
        wid = lax.axis_index("s") * mesh.num_cores + lax.axis_index("c")
        base = wid * bpw
        pltpu.sync_copy(ui_hbm.at[pl.ds(base, bpw)], ui_v)
        pltpu.sync_copy(mi_hbm.at[pl.ds(base, bpw)], mi_v)
        c1 = pltpu.async_copy(ue_hbm.at[ui_v], ue_v, sem)
        c2 = pltpu.async_copy(me_hbm.at[mi_v], me_v, sem)
        c3 = pltpu.async_copy(ub_hbm.at[ui_v], ub_v, sem)
        c4 = pltpu.async_copy(mb_hbm.at[mi_v], mb_v, sem)
        c1.wait()
        c2.wait()
        c3.wait()
        c4.wait()

        lane = lax.iota(jnp.int32, _L)

        def g_body(g, carry):
            dots = jnp.full((_L,), 0.0, jnp.float32)
            for j in range(_L):
                i = g * _L + j
                acc = ue_v[i, pl.ds(0, _L)] * me_v[i, pl.ds(0, _L)]
                for h in range(1, embed // _L):
                    acc = acc + (ue_v[i, pl.ds(h * _L, _L)]
                                 * me_v[i, pl.ds(h * _L, _L)])
                dots = jnp.where(lane == j, jnp.sum(acc), dots)
            r = dots + ub_v[pl.ds(g * _L, _L)] + mb_v[pl.ds(g * _L, _L)]
            out_v[pl.ds(g * _L, _L)] = jnp.minimum(
                jnp.maximum(r, jnp.full((_L,), 0.0, jnp.float32)),
                jnp.full((_L,), 5.0, jnp.float32))
            return carry

        lax.fori_loop(0, bpw // _L, g_body, 0)
        pltpu.sync_copy(out_v, out_hbm.at[pl.ds(base, bpw)])

    return pl.kernel(
        body,
        out_type=jax.ShapeDtypeStruct((batch,), jnp.float32),
        mesh=mesh,
        compiler_params=pltpu.CompilerParams(
            needs_layout_passes=False, use_tc_tiling_on_sc=False,
            disable_bounds_checks=True),
        scratch_types=[
            pltpu.VMEM((bpw,), jnp.int32),
            pltpu.VMEM((bpw,), jnp.int32),
            pltpu.VMEM((bpw, embed), jnp.float32),
            pltpu.VMEM((bpw, embed), jnp.float32),
            pltpu.VMEM((bpw,), jnp.float32),
            pltpu.VMEM((bpw,), jnp.float32),
            pltpu.VMEM((bpw,), jnp.float32),
            pltpu.SemaphoreType.DMA,
        ],
    )


def kernel(user_indices, movie_indices, user_emb, movie_emb, user_bias, movie_bias):
    batch = user_indices.shape[0]
    embed = user_emb.shape[1]
    sc = _make_sc_kernel(batch, embed)
    return sc(user_indices.astype(jnp.int32),
              movie_indices.astype(jnp.int32),
              user_emb, movie_emb,
              user_bias.reshape(-1), movie_bias.reshape(-1))

# --- scband reference (transcript-rebuilt; emitter-appended) ---
"""Pipeline reference for scband-recommender-net-48129403519426 (READ-ONLY COPY).

The authoritative reference and input builder live on the scoring server;
editing this copy changes nothing except your own understanding.
"""

import jax, jax.numpy as jnp
import numpy as np

NUM_USERS = 1000000
NUM_MOVIES = 1000000
EMBED = 32
BATCH = 16384


def setup_inputs(seed: int = 0) -> dict:
    key = jax.random.key(seed)
    k1, k2, k3, k4, k5, k6 = jax.random.split(key, 6)
    user_indices = jax.random.randint(k1, (BATCH,), 0, NUM_USERS, dtype=jnp.int64 if jax.config.jax_enable_x64 else jnp.int32)
    movie_indices = jax.random.randint(k2, (BATCH,), 0, NUM_MOVIES, dtype=jnp.int64 if jax.config.jax_enable_x64 else jnp.int32)
    user_emb = jax.random.normal(k3, (NUM_USERS, EMBED), dtype=jnp.float32) * 0.05
    movie_emb = jax.random.normal(k4, (NUM_MOVIES, EMBED), dtype=jnp.float32) * 0.05
    user_bias = jax.random.normal(k5, (NUM_USERS, 1), dtype=jnp.float32) * 0.05
    movie_bias = jax.random.normal(k6, (NUM_MOVIES, 1), dtype=jnp.float32) * 0.05
    return {
        "user_indices": user_indices,
        "movie_indices": movie_indices,
        "user_emb": user_emb,
        "movie_emb": movie_emb,
        "user_bias": user_bias,
        "movie_bias": movie_bias,
    }


def reference(user_indices, movie_indices, user_emb, movie_emb, user_bias, movie_bias):
    ue = jnp.take(user_emb, user_indices, axis=0)
    me = jnp.take(movie_emb, movie_indices, axis=0)
    ub = jnp.take(user_bias, user_indices, axis=0).squeeze(-1)
    mb = jnp.take(movie_bias, movie_indices, axis=0).squeeze(-1)
    dot = jnp.sum(ue * me, axis=1)
    rating = dot + ub + mb
    rating = jnp.clip(rating, 0.0, 5.0)
    return rating

if __name__ == "__main__":
    import jax
    _d = setup_inputs()
    print(jax.jit(kernel)(*tuple(_d.values())))

</pallas_src>

<mosaic_0001>
#map = affine_map<(d0, d1) -> (0)>
#map1 = affine_map<(d0, d1) -> (0, 0)>
module attributes {stable_mosaic.version = 14 : i64} {
  func.func @body(%arg0: i32, %arg1: i32, %arg2: memref<16384xi32, #tpu.memory_space<hbm>>, %arg3: memref<16384xi32, #tpu.memory_space<hbm>>, %arg4: memref<1000000x32xf32, #tpu.memory_space<hbm>>, %arg5: memref<1000000x32xf32, #tpu.memory_space<hbm>>, %arg6: memref<1000000xf32, #tpu.memory_space<hbm>>, %arg7: memref<1000000xf32, #tpu.memory_space<hbm>>, %arg8: memref<16384xf32, #tpu.memory_space<hbm>>, %arg9: memref<512xi32, #tpu.memory_space<vmem>>, %arg10: memref<512xi32, #tpu.memory_space<vmem>>, %arg11: memref<512x32xf32, #tpu.memory_space<vmem>>, %arg12: memref<512x32xf32, #tpu.memory_space<vmem>>, %arg13: memref<512xf32, #tpu.memory_space<vmem>>, %arg14: memref<512xf32, #tpu.memory_space<vmem>>, %arg15: memref<512xf32, #tpu.memory_space<vmem>>, %arg16: memref<!tpu.dma_semaphore, #tpu.memory_space<semaphore_mem>>) attributes {dimension_semantics = [#tpu.dimension_semantics<core_parallel>, #tpu.dimension_semantics<subcore_parallel>], iteration_bounds = array<i64: 2, 16>, scalar_prefetch = 0 : i64, scratch_operands = 8 : i64, tpu.core_type = #tpu.core_type<sc_vector_subcore>, window_params = [{transform_indices = #map}, {transform_indices = #map}, {transform_indices = #map1}, {transform_indices = #map1}, {transform_indices = #map}, {transform_indices = #map}, {transform_indices = #map}]} {
    %mul3A = arith.constant 2 : i32
    %mul3A_0 = arith.muli %arg1, %mul3A : i32
    %add3A = arith.addi %mul3A_0, %arg0 : i32
    %mul3A_1 = arith.constant 512 : i32
    %mul3A_2 = arith.muli %add3A, %mul3A_1 : i32
    "tpu.region"() ({
      %run_scoped3A = tpu.sem_alloc : memref<!tpu.dma_semaphore, #tpu.memory_space<semaphore_mem>>
      %dma_start3A_26 = tpu.memref_slice %arg2[%mul3A_2] : memref<16384xi32, #tpu.memory_space<hbm>> -> memref<512xi32, #tpu.memory_space<hbm>>
      %dma_start3A_27 = tpu.memref_slice %arg2[%mul3A_2] : memref<16384xi32, #tpu.memory_space<hbm>> -> memref<512xi32, #tpu.memory_space<hbm>>
      tpu.enqueue_dma source(%dma_start3A_27 : memref<512xi32, #tpu.memory_space<hbm>>) target(%arg9 : memref<512xi32, #tpu.memory_space<vmem>>) target_semaphore(%run_scoped3A : memref<!tpu.dma_semaphore, #tpu.memory_space<semaphore_mem>>)
      %dma_wait3A_28 = tpu.memref_slice %arg2[%mul3A_2] : memref<16384xi32, #tpu.memory_space<hbm>> -> memref<512xi32, #tpu.memory_space<hbm>>
      %dma_wait3A_29 = tpu.memref_slice %arg2[%mul3A_2] : memref<16384xi32, #tpu.memory_space<hbm>> -> memref<512xi32, #tpu.memory_space<hbm>>
      tpu.wait_dma2 semaphore(%run_scoped3A : memref<!tpu.dma_semaphore, #tpu.memory_space<semaphore_mem>>) src(%dma_wait3A_29 : memref<512xi32, #tpu.memory_space<hbm>>) dst(%arg9 : memref<512xi32, #tpu.memory_space<vmem>>)
      tpu.yield
    }) : () -> ()
    "tpu.region"() ({
      %run_scoped3A = tpu.sem_alloc : memref<!tpu.dma_semaphore, #tpu.memory_space<semaphore_mem>>
      %dma_start3A_26 = tpu.memref_slice %arg3[%mul3A_2] : memref<16384xi32, #tpu.memory_space<hbm>> -> memref<512xi32, #tpu.memory_space<hbm>>
      %dma_start3A_27 = tpu.memref_slice %arg3[%mul3A_2] : memref<16384xi32, #tpu.memory_space<hbm>> -> memref<512xi32, #tpu.memory_space<hbm>>
      tpu.enqueue_dma source(%dma_start3A_27 : memref<512xi32, #tpu.memory_space<hbm>>) target(%arg10 : memref<512xi32, #tpu.memory_space<vmem>>) target_semaphore(%run_scoped3A : memref<!tpu.dma_semaphore, #tpu.memory_space<semaphore_mem>>)
      %dma_wait3A_28 = tpu.memref_slice %arg3[%mul3A_2] : memref<16384xi32, #tpu.memory_space<hbm>> -> memref<512xi32, #tpu.memory_space<hbm>>
      %dma_wait3A_29 = tpu.memref_slice %arg3[%mul3A_2] : memref<16384xi32, #tpu.memory_space<hbm>> -> memref<512xi32, #tpu.memory_space<hbm>>
      tpu.wait_dma2 semaphore(%run_scoped3A : memref<!tpu.dma_semaphore, #tpu.memory_space<semaphore_mem>>) src(%dma_wait3A_29 : memref<512xi32, #tpu.memory_space<hbm>>) dst(%arg10 : memref<512xi32, #tpu.memory_space<vmem>>)
      tpu.yield
    }) : () -> ()
    %dma_start3A = arith.constant 0 : i32
    %dma_start3A_3 = arith.constant 0 : i32
    %dma_start3A_4 = tpu.memref_slice %arg4[%dma_start3A, %dma_start3A_3] : memref<1000000x32xf32, #tpu.memory_space<hbm>> -> memref<1000000x32xf32, #tpu.memory_space<hbm>>
    tpu.enqueue_indirect_dma source(%dma_start3A_4 : memref<1000000x32xf32, #tpu.memory_space<hbm>>) target(%arg11 : memref<512x32xf32, #tpu.memory_space<vmem>>) offsets(%arg9 : memref<512xi32, #tpu.memory_space<vmem>>) semaphore(%arg16 : memref<!tpu.dma_semaphore, #tpu.memory_space<semaphore_mem>>)
    %dma_start3A_5 = arith.constant 0 : i32
    %dma_start3A_6 = arith.constant 0 : i32
    %dma_start3A_7 = tpu.memref_slice %arg5[%dma_start3A_5, %dma_start3A_6] : memref<1000000x32xf32, #tpu.memory_space<hbm>> -> memref<1000000x32xf32, #tpu.memory_space<hbm>>
    tpu.enqueue_indirect_dma source(%dma_start3A_7 : memref<1000000x32xf32, #tpu.memory_space<hbm>>) target(%arg12 : memref<512x32xf32, #tpu.memory_space<vmem>>) offsets(%arg10 : memref<512xi32, #tpu.memory_space<vmem>>) semaphore(%arg16 : memref<!tpu.dma_semaphore, #tpu.memory_space<semaphore_mem>>)
    %dma_start3A_8 = arith.constant 0 : i32
    %dma_start3A_9 = tpu.memref_slice %arg6[%dma_start3A_8] : memref<1000000xf32, #tpu.memory_space<hbm>> -> memref<1000000xf32, #tpu.memory_space<hbm>>
    tpu.enqueue_indirect_dma source(%dma_start3A_9 : memref<1000000xf32, #tpu.memory_space<hbm>>) target(%arg13 : memref<512xf32, #tpu.memory_space<vmem>>) offsets(%arg9 : memref<512xi32, #tpu.memory_space<vmem>>) semaphore(%arg16 : memref<!tpu.dma_semaphore, #tpu.memory_space<semaphore_mem>>)
    %dma_start3A_10 = arith.constant 0 : i32
    %dma_start3A_11 = tpu.memref_slice %arg7[%dma_start3A_10] : memref<1000000xf32, #tpu.memory_space<hbm>> -> memref<1000000xf32, #tpu.memory_space<hbm>>
    tpu.enqueue_indirect_dma source(%dma_start3A_11 : memref<1000000xf32, #tpu.memory_space<hbm>>) target(%arg14 : memref<512xf32, #tpu.memory_space<vmem>>) offsets(%arg10 : memref<512xi32, #tpu.memory_space<vmem>>) semaphore(%arg16 : memref<!tpu.dma_semaphore, #tpu.memory_space<semaphore_mem>>)
    %dma_wait3A = arith.constant 0 : i32
    %dma_wait3A_12 = arith.constant 0 : i32
    %dma_wait3A_13 = tpu.memref_slice %arg4[%dma_wait3A, %dma_wait3A_12] : memref<1000000x32xf32, #tpu.memory_space<hbm>> -> memref<1000000x32xf32, #tpu.memory_space<hbm>>
    tpu.wait_indirect_dma semaphore(%arg16 : memref<!tpu.dma_semaphore, #tpu.memory_space<semaphore_mem>>) src(%dma_wait3A_13 : memref<1000000x32xf32, #tpu.memory_space<hbm>>) dst(%arg11 : memref<512x32xf32, #tpu.memory_space<vmem>>)
    %dma_wait3A_14 = arith.constant 0 : i32
    %dma_wait3A_15 = arith.constant 0 : i32
    %dma_wait3A_16 = tpu.memref_slice %arg5[%dma_wait3A_14, %dma_wait3A_15] : memref<1000000x32xf32, #tpu.memory_space<hbm>> -> memref<1000000x32xf32, #tpu.memory_space<hbm>>
    tpu.wait_indirect_dma semaphore(%arg16 : memref<!tpu.dma_semaphore, #tpu.memory_space<semaphore_mem>>) src(%dma_wait3A_16 : memref<1000000x32xf32, #tpu.memory_space<hbm>>) dst(%arg12 : memref<512x32xf32, #tpu.memory_space<vmem>>)
    %dma_wait3A_17 = arith.constant 0 : i32
    %dma_wait3A_18 = tpu.memref_slice %arg6[%dma_wait3A_17] : memref<1000000xf32, #tpu.memory_space<hbm>> -> memref<1000000xf32, #tpu.memory_space<hbm>>
    tpu.wait_indirect_dma semaphore(%arg16 : memref<!tpu.dma_semaphore, #tpu.memory_space<semaphore_mem>>) src(%dma_wait3A_18 : memref<1000000xf32, #tpu.memory_space<hbm>>) dst(%arg13 : memref<512xf32, #tpu.memory_space<vmem>>)
    %dma_wait3A_19 = arith.constant 0 : i32
    %dma_wait3A_20 = tpu.memref_slice %arg7[%dma_wait3A_19] : memref<1000000xf32, #tpu.memory_space<hbm>> -> memref<1000000xf32, #tpu.memory_space<hbm>>
    tpu.wait_indirect_dma semaphore(%arg16 : memref<!tpu.dma_semaphore, #tpu.memory_space<semaphore_mem>>) src(%dma_wait3A_20 : memref<1000000xf32, #tpu.memory_space<hbm>>) dst(%arg14 : memref<512xf32, #tpu.memory_space<vmem>>)
    %iota3A = tpu.iota {dimensions = array<i32: 0>} : vector<16xi32>
    %scan3A = arith.constant 0 : i32
    %scan3A_21 = arith.constant 0 : i32
    %scan3A_22 = arith.constant 32 : i32
    %scan3A_23 = arith.addi %scan3A_21, %scan3A_22 : i32
    %scan3A_24 = arith.constant 1 : i32
    scf.for %scan3A_26 = %scan3A_21 to %scan3A_23 step %scan3A_24  : i32 {
      %broadcast_in_dim3A = arith.constant 0.000000e+00 : f32
      %broadcast_in_dim3A_27 = vector.broadcast %broadcast_in_dim3A : f32 to vector<16xf32>
      %mul3A_28 = arith.constant 16 : i32
      %mul3A_29 = arith.muli %scan3A_26, %mul3A_28 : i32
      %add3A_30 = arith.constant 0 : i32
      %add3A_31 = arith.addi %mul3A_29, %add3A_30 : i32
      %get3A = arith.index_cast %add3A_31 : i32 to index
      %get3A_32 = arith.constant 0 : index
      %get3A_33 = tpu.vector_load %arg11[%get3A, %get3A_32] {strides = array<i32>} : memref<512x32xf32, #tpu.memory_space<vmem>>, vector<16xf32>,
      %get3A_34 = arith.index_cast %add3A_31 : i32 to index
      %get3A_35 = arith.constant 0 : index
      %get3A_36 = tpu.vector_load %arg12[%get3A_34, %get3A_35] {strides = array<i32>} : memref<512x32xf32, #tpu.memory_space<vmem>>, vector<16xf32>,
      %mul3A_37 = arith.mulf %get3A_33, %get3A_36 : vector<16xf32>
      %get3A_38 = arith.index_cast %add3A_31 : i32 to index
      %get3A_39 = arith.constant 16 : index
      %get3A_40 = tpu.vector_load %arg11[%get3A_38, %get3A_39] {strides = array<i32>} : memref<512x32xf32, #tpu.memory_space<vmem>>, vector<16xf32>,
      %get3A_41 = arith.index_cast %add3A_31 : i32 to index
      %get3A_42 = arith.constant 16 : index
      %get3A_43 = tpu.vector_load %arg12[%get3A_41, %get3A_42] {strides = array<i32>} : memref<512x32xf32, #tpu.memory_space<vmem>>, vector<16xf32>,
      %mul3A_44 = arith.mulf %get3A_40, %get3A_43 : vector<16xf32>
      %add3A_45 = arith.addf %mul3A_37, %mul3A_44 : vector<16xf32>
      %eq3A = arith.constant 0 : i32
      %eq3A_46 = vector.broadcast %eq3A : i32 to vector<16xi32>
      %eq3A_47 = arith.cmpi eq, %iota3A, %eq3A_46 : vector<16xi32>
      %reduce_sum3A = arith.constant true
      %reduce_sum3A_48 = vector.broadcast %reduce_sum3A : i1 to vector<16xi1>
      %reduce_sum3A_49 = tpu.scan <sum>, %add3A_45 masked %reduce_sum3A_48 : vector<16xf32>, vector<16xi1> -> vector<16xf32>
      %reduce_sum3A_50 = vector.extract %reduce_sum3A_49[15] : f32 from vector<16xf32>
      %broadcast_in_dim3A_51 = vector.broadcast %reduce_sum3A_50 : f32 to vector<16xf32>
      %select_n3A = arith.select %eq3A_47, %broadcast_in_dim3A_51, %broadcast_in_dim3A_27 : vector<16xi1>, vector<16xf32>
      %mul3A_52 = arith.constant 16 : i32
      %mul3A_53 = arith.muli %scan3A_26, %mul3A_52 : i32
      %add3A_54 = arith.constant 1 : i32
      %add3A_55 = arith.addi %mul3A_53, %add3A_54 : i32
      %get3A_56 = arith.index_cast %add3A_55 : i32 to index
      %get3A_57 = arith.constant 0 : index
      %get3A_58 = tpu.vector_load %arg11[%get3A_56, %get3A_57] {strides = array<i32>} : memref<512x32xf32, #tpu.memory_space<vmem>>, vector<16xf32>,
      %get3A_59 = arith.index_cast %add3A_55 : i32 to index
      %get3A_60 = arith.constant 0 : index
      %get3A_61 = tpu.vector_load %arg12[%get3A_59, %get3A_60] {strides = array<i32>} : memref<512x32xf32, #tpu.memory_space<vmem>>, vector<16xf32>,
      %mul3A_62 = arith.mulf %get3A_58, %get3A_61 : vector<16xf32>
      %get3A_63 = arith.index_cast %add3A_55 : i32 to index
      %get3A_64 = arith.constant 16 : index
      %get3A_65 = tpu.vector_load %arg11[%get3A_63, %get3A_64] {strides = array<i32>} : memref<512x32xf32, #tpu.memory_space<vmem>>, vector<16xf32>,
      %get3A_66 = arith.index_cast %add3A_55 : i32 to index
      %get3A_67 = arith.constant 16 : index
      %get3A_68 = tpu.vector_load %arg12[%get3A_66, %get3A_67] {strides = array<i32>} : memref<512x32xf32, #tpu.memory_space<vmem>>, vector<16xf32>,
      %mul3A_69 = arith.mulf %get3A_65, %get3A_68 : vector<16xf32>
      %add3A_70 = arith.addf %mul3A_62, %mul3A_69 : vector<16xf32>
      %eq3A_71 = arith.constant 1 : i32
      %eq3A_72 = vector.broadcast %eq3A_71 : i32 to vector<16xi32>
      %eq3A_73 = arith.cmpi eq, %iota3A, %eq3A_72 : vector<16xi32>
      %reduce_sum3A_74 = arith.constant true
      %reduce_sum3A_75 = vector.broadcast %reduce_sum3A_74 : i1 to vector<16xi1>
      %reduce_sum3A_76 = tpu.scan <sum>, %add3A_70 masked %reduce_sum3A_75 : vector<16xf32>, vector<16xi1> -> vector<16xf32>
      %reduce_sum3A_77 = vector.extract %reduce_sum3A_76[15] : f32 from vector<16xf32>
      %broadcast_in_dim3A_78 = vector.broadcast %reduce_sum3A_77 : f32 to vector<16xf32>
      %select_n3A_79 = arith.select %eq3A_73, %broadcast_in_dim3A_78, %select_n3A : vector<16xi1>, vector<16xf32>
      %mul3A_80 = arith.constant 16 : i32
      %mul3A_81 = arith.muli %scan3A_26, %mul3A_80 : i32
      %add3A_82 = arith.constant 2 : i32
      %add3A_83 = arith.addi %mul3A_81, %add3A_82 : i32
      %get3A_84 = arith.index_cast %add3A_83 : i32 to index
      %get3A_85 = arith.constant 0 : index
      %get3A_86 = tpu.vector_load %arg11[%get3A_84, %get3A_85] {strides = array<i32>} : memref<512x32xf32, #tpu.memory_space<vmem>>, vector<16xf32>,
      %get3A_87 = arith.index_cast %add3A_83 : i32 to index
      %get3A_88 = arith.constant 0 : index
      %get3A_89 = tpu.vector_load %arg12[%get3A_87, %get3A_88] {strides = array<i32>} : memref<512x32xf32, #tpu.memory_space<vmem>>, vector<16xf32>,
      %mul3A_90 = arith.mulf %get3A_86, %get3A_89 : vector<16xf32>
      %get3A_91 = arith.index_cast %add3A_83 : i32 to index
      %get3A_92 = arith.constant 16 : index
      %get3A_93 = tpu.vector_load %arg11[%get3A_91, %get3A_92] {strides = array<i32>} : memref<512x32xf32, #tpu.memory_space<vmem>>, vector<16xf32>,
      %get3A_94 = arith.index_cast %add3A_83 : i32 to index
      %get3A_95 = arith.constant 16 : index
      %get3A_96 = tpu.vector_load %arg12[%get3A_94, %get3A_95] {strides = array<i32>} : memref<512x32xf32, #tpu.memory_space<vmem>>, vector<16xf32>,
      %mul3A_97 = arith.mulf %get3A_93, %get3A_96 : vector<16xf32>
      %add3A_98 = arith.addf %mul3A_90, %mul3A_97 : vector<16xf32>
      %eq3A_99 = arith.constant 2 : i32
      %eq3A_100 = vector.broadcast %eq3A_99 : i32 to vector<16xi32>
      %eq3A_101 = arith.cmpi eq, %iota3A, %eq3A_100 : vector<16xi32>
      %reduce_sum3A_102 = arith.constant true
      %reduce_sum3A_103 = vector.broadcast %reduce_sum3A_102 : i1 to vector<16xi1>
      %reduce_sum3A_104 = tpu.scan <sum>, %add3A_98 masked %reduce_sum3A_103 : vector<16xf32>, vector<16xi1> -> vector<16xf32>
      %reduce_sum3A_105 = vector.extract %reduce_sum3A_104[15] : f32 from vector<16xf32>
      %broadcast_in_dim3A_106 = vector.broadcast %reduce_sum3A_105 : f32 to vector<16xf32>
      %select_n3A_107 = arith.select %eq3A_101, %broadcast_in_dim3A_106, %select_n3A_79 : vector<16xi1>, vector<16xf32>
      %mul3A_108 = arith.constant 16 : i32
      %mul3A_109 = arith.muli %scan3A_26, %mul3A_108 : i32
      %add3A_110 = arith.constant 3 : i32
      %add3A_111 = arith.addi %mul3A_109, %add3A_110 : i32
      %get3A_112 = arith.index_cast %add3A_111 : i32 to index
      %get3A_113 = arith.constant 0 : index
      %get3A_114 = tpu.vector_load %arg11[%get3A_112, %get3A_113] {strides = array<i32>} : memref<512x32xf32, #tpu.memory_space<vmem>>, vector<16xf32>,
      %get3A_115 = arith.index_cast %add3A_111 : i32 to index
      %get3A_116 = arith.constant 0 : index
      %get3A_117 = tpu.vector_load %arg12[%get3A_115, %get3A_116] {strides = array<i32>} : memref<512x32xf32, #tpu.memory_space<vmem>>, vector<16xf32>,
      %mul3A_118 = arith.mulf %get3A_114, %get3A_117 : vector<16xf32>
      %get3A_119 = arith.index_cast %add3A_111 : i32 to index
      %get3A_120 = arith.constant 16 : index
      %get3A_121 = tpu.vector_load %arg11[%get3A_119, %get3A_120] {strides = array<i32>} : memref<512x32xf32, #tpu.memory_space<vmem>>, vector<16xf32>,
      %get3A_122 = arith.index_cast %add3A_111 : i32 to index
      %get3A_123 = arith.constant 16 : index
      %get3A_124 = tpu.vector_load %arg12[%get3A_122, %get3A_123] {strides = array<i32>} : memref<512x32xf32, #tpu.memory_space<vmem>>, vector<16xf32>,
      %mul3A_125 = arith.mulf %get3A_121, %get3A_124 : vector<16xf32>
      %add3A_126 = arith.addf %mul3A_118, %mul3A_125 : vector<16xf32>
      %eq3A_127 = arith.constant 3 : i32
      %eq3A_128 = vector.broadcast %eq3A_127 : i32 to vector<16xi32>
      %eq3A_129 = arith.cmpi eq, %iota3A, %eq3A_128 : vector<16xi32>
      %reduce_sum3A_130 = arith.constant true
      %reduce_sum3A_131 = vector.broadcast %reduce_sum3A_130 : i1 to vector<16xi1>
      %reduce_sum3A_132 = tpu.scan <sum>, %add3A_126 masked %reduce_sum3A_131 : vector<16xf32>, vector<16xi1> -> vector<16xf32>
      %reduce_sum3A_133 = vector.extract %reduce_sum3A_132[15] : f32 from vector<16xf32>
      %broadcast_in_dim3A_134 = vector.broadcast %reduce_sum3A_133 : f32 to vector<16xf32>
      %select_n3A_135 = arith.select %eq3A_129, %broadcast_in_dim3A_134, %select_n3A_107 : vector<16xi1>, vector<16xf32>
      %mul3A_136 = arith.constant 16 : i32
      %mul3A_137 = arith.muli %scan3A_26, %mul3A_136 : i32
      %add3A_138 = arith.constant 4 : i32
      %add3A_139 = arith.addi %mul3A_137, %add3A_138 : i32
      %get3A_140 = arith.index_cast %add3A_139 : i32 to index
      %get3A_141 = arith.constant 0 : index
      %get3A_142 = tpu.vector_load %arg11[%get3A_140, %get3A_141] {strides = array<i32>} : memref<512x32xf32, #tpu.memory_space<vmem>>, vector<16xf32>,
      %get3A_143 = arith.index_cast %add3A_139 : i32 to index
      %get3A_144 = arith.constant 0 : index
      %get3A_145 = tpu.vector_load %arg12[%get3A_143, %get3A_144] {strides = array<i32>} : memref<512x32xf32, #tpu.memory_space<vmem>>, vector<16xf32>,
      %mul3A_146 = arith.mulf %get3A_142, %get3A_145 : vector<16xf32>
      %get3A_147 = arith.index_cast %add3A_139 : i32 to index
      %get3A_148 = arith.constant 16 : index
      %get3A_149 = tpu.vector_load %arg11[%get3A_147, %get3A_148] {strides = array<i32>} : memref<512x32xf32, #tpu.memory_space<vmem>>, vector<16xf32>,
      %get3A_150 = arith.index_cast %add3A_139 : i32 to index
      %get3A_151 = arith.constant 16 : index
      %get3A_152 = tpu.vector_load %arg12[%get3A_150, %get3A_151] {strides = array<i32>} : memref<512x32xf32, #tpu.memory_space<vmem>>, vector<16xf32>,
      %mul3A_153 = arith.mulf %get3A_149, %get3A_152 : vector<16xf32>
      %add3A_154 = arith.addf %mul3A_146, %mul3A_153 : vector<16xf32>
      %eq3A_155 = arith.constant 4 : i32
      %eq3A_156 = vector.broadcast %eq3A_155 : i32 to vector<16xi32>
      %eq3A_157 = arith.cmpi eq, %iota3A, %eq3A_156 : vector<16xi32>
      %reduce_sum3A_158 = arith.constant true
      %reduce_sum3A_159 = vector.broadcast %reduce_sum3A_158 : i1 to vector<16xi1>
      %reduce_sum3A_160 = tpu.scan <sum>, %add3A_154 masked %reduce_sum3A_159 : vector<16xf32>, vector<16xi1> -> vector<16xf32>
      %reduce_sum3A_161 = vector.extract %reduce_sum3A_160[15] : f32 from vector<16xf32>
      %broadcast_in_dim3A_162 = vector.broadcast %reduce_sum3A_161 : f32 to vector<16xf32>
      %select_n3A_163 = arith.select %eq3A_157, %broadcast_in_dim3A_162, %select_n3A_135 : vector<16xi1>, vector<16xf32>
      %mul3A_164 = arith.constant 16 : i32
      %mul3A_165 = arith.muli %scan3A_26, %mul3A_164 : i32
      %add3A_166 = arith.constant 5 : i32
      %add3A_167 = arith.addi %mul3A_165, %add3A_166 : i32
      %get3A_168 = arith.index_cast %add3A_167 : i32 to index
      %get3A_169 = arith.constant 0 : index
      %get3A_170 = tpu.vector_load %arg11[%get3A_168, %get3A_169] {strides = array<i32>} : memref<512x32xf32, #tpu.memory_space<vmem>>, vector<16xf32>,
      %get3A_171 = arith.index_cast %add3A_167 : i32 to index
      %get3A_172 = arith.constant 0 : index
      %get3A_173 = tpu.vector_load %arg12[%get3A_171, %get3A_172] {strides = array<i32>} : memref<512x32xf32, #tpu.memory_space<vmem>>, vector<16xf32>,
      %mul3A_174 = arith.mulf %get3A_170, %get3A_173 : vector<16xf32>
      %get3A_175 = arith.index_cast %add3A_167 : i32 to index
      %get3A_176 = arith.constant 16 : index
      %get3A_177 = tpu.vector_load %arg11[%get3A_175, %get3A_176] {strides = array<i32>} : memref<512x32xf32, #tpu.memory_space<vmem>>, vector<16xf32>,
      %get3A_178 = arith.index_cast %add3A_167 : i32 to index
      %get3A_179 = arith.constant 16 : index
      %get3A_180 = tpu.vector_load %arg12[%get3A_178, %get3A_179] {strides = array<i32>} : memref<512x32xf32, #tpu.memory_space<vmem>>, vector<16xf32>,
      %mul3A_181 = arith.mulf %get3A_177, %get3A_180 : vector<16xf32>
      %add3A_182 = arith.addf %mul3A_174, %mul3A_181 : vector<16xf32>
      %eq3A_183 = arith.constant 5 : i32
      %eq3A_184 = vector.broadcast %eq3A_183 : i32 to vector<16xi32>
      %eq3A_185 = arith.cmpi eq, %iota3A, %eq3A_184 : vector<16xi32>
      %reduce_sum3A_186 = arith.constant true
      %reduce_sum3A_187 = vector.broadcast %reduce_sum3A_186 : i1 to vector<16xi1>
      %reduce_sum3A_188 = tpu.scan <sum>, %add3A_182 masked %reduce_sum3A_187 : vector<16xf32>, vector<16xi1> -> vector<16xf32>
      %reduce_sum3A_189 = vector.extract %reduce_sum3A_188[15] : f32 from vector<16xf32>
      %broadcast_in_dim3A_190 = vector.broadcast %reduce_sum3A_189 : f32 to vector<16xf32>
      %select_n3A_191 = arith.select %eq3A_185, %broadcast_in_dim3A_190, %select_n3A_163 : vector<16xi1>, vector<16xf32>
      %mul3A_192 = arith.constant 16 : i32
      %mul3A_193 = arith.muli %scan3A_26, %mul3A_192 : i32
      %add3A_194 = arith.constant 6 : i32
      %add3A_195 = arith.addi %mul3A_193, %add3A_194 : i32
      %get3A_196 = arith.index_cast %add3A_195 : i32 to index
      %get3A_197 = arith.constant 0 : index
      %get3A_198 = tpu.vector_load %arg11[%get3A_196, %get3A_197] {strides = array<i32>} : memref<512x32xf32, #tpu.memory_space<vmem>>, vector<16xf32>,
      %get3A_199 = arith.index_cast %add3A_195 : i32 to index
      %get3A_200 = arith.constant 0 : index
      %get3A_201 = tpu.vector_load %arg12[%get3A_199, %get3A_200] {strides = array<i32>} : memref<512x32xf32, #tpu.memory_space<vmem>>, vector<16xf32>,
      %mul3A_202 = arith.mulf %get3A_198, %get3A_201 : vector<16xf32>
      %get3A_203 = arith.index_cast %add3A_195 : i32 to index
      %get3A_204 = arith.constant 16 : index
      %get3A_205 = tpu.vector_load %arg11[%get3A_203, %get3A_204] {strides = array<i32>} : memref<512x32xf32, #tpu.memory_space<vmem>>, vector<16xf32>,
      %get3A_206 = arith.index_cast %add3A_195 : i32 to index
      %get3A_207 = arith.constant 16 : index
      %get3A_208 = tpu.vector_load %arg12[%get3A_206, %get3A_207] {strides = array<i32>} : memref<512x32xf32, #tpu.memory_space<vmem>>, vector<16xf32>,
      %mul3A_209 = arith.mulf %get3A_205, %get3A_208 : vector<16xf32>
      %add3A_210 = arith.addf %mul3A_202, %mul3A_209 : vector<16xf32>
      %eq3A_211 = arith.constant 6 : i32
      %eq3A_212 = vector.broadcast %eq3A_211 : i32 to vector<16xi32>
      %eq3A_213 = arith.cmpi eq, %iota3A, %eq3A_212 : vector<16xi32>
      %reduce_sum3A_214 = arith.constant true
      %reduce_sum3A_215 = vector.broadcast %reduce_sum3A_214 : i1 to vector<16xi1>
      %reduce_sum3A_216 = tpu.scan <sum>, %add3A_210 masked %reduce_sum3A_215 : vector<16xf32>, vector<16xi1> -> vector<16xf32>
      %reduce_sum3A_217 = vector.extract %reduce_sum3A_216[15] : f32 from vector<16xf32>
      %broadcast_in_dim3A_218 = vector.broadcast %reduce_sum3A_217 : f32 to vector<16xf32>
      %select_n3A_219 = arith.select %eq3A_213, %broadcast_in_dim3A_218, %select_n3A_191 : vector<16xi1>, vector<16xf32>
      %mul3A_220 = arith.constant 16 : i32
      %mul3A_221 = arith.muli %scan3A_26, %mul3A_220 : i32
      %add3A_222 = arith.constant 7 : i32
      %add3A_223 = arith.addi %mul3A_221, %add3A_222 : i32
      %get3A_224 = arith.index_cast %add3A_223 : i32 to index
      %get3A_225 = arith.constant 0 : index
      %get3A_226 = tpu.vector_load %arg11[%get3A_224, %get3A_225] {strides = array<i32>} : memref<512x32xf32, #tpu.memory_space<vmem>>, vector<16xf32>,
      %get3A_227 = arith.index_cast %add3A_223 : i32 to index
      %get3A_228 = arith.constant 0 : index
      %get3A_229 = tpu.vector_load %arg12[%get3A_227, %get3A_228] {strides = array<i32>} : memref<512x32xf32, #tpu.memory_space<vmem>>, vector<16xf32>,
      %mul3A_230 = arith.mulf %get3A_226, %get3A_229 : vector<16xf32>
      %get3A_231 = arith.index_cast %add3A_223 : i32 to index
      %get3A_232 = arith.constant 16 : index
      %get3A_233 = tpu.vector_load %arg11[%get3A_231, %get3A_232] {strides = array<i32>} : memref<512x32xf32, #tpu.memory_space<vmem>>, vector<16xf32>,
      %get3A_234 = arith.index_cast %add3A_223 : i32 to index
      %get3A_235 = arith.constant 16 : index
      %get3A_236 = tpu.vector_load %arg12[%get3A_234, %get3A_235] {strides = array<i32>} : memref<512x32xf32, #tpu.memory_space<vmem>>, vector<16xf32>,
      %mul3A_237 = arith.mulf %get3A_233, %get3A_236 : vector<16xf32>
      %add3A_238 = arith.addf %mul3A_230, %mul3A_237 : vector<16xf32>
      %eq3A_239 = arith.constant 7 : i32
      %eq3A_240 = vector.broadcast %eq3A_239 : i32 to vector<16xi32>
      %eq3A_241 = arith.cmpi eq, %iota3A, %eq3A_240 : vector<16xi32>
      %reduce_sum3A_242 = arith.constant true
      %reduce_sum3A_243 = vector.broadcast %reduce_sum3A_242 : i1 to vector<16xi1>
      %reduce_sum3A_244 = tpu.scan <sum>, %add3A_238 masked %reduce_sum3A_243 : vector<16xf32>, vector<16xi1> -> vector<16xf32>
      %reduce_sum3A_245 = vector.extract %reduce_sum3A_244[15] : f32 from vector<16xf32>
      %broadcast_in_dim3A_246 = vector.broadcast %reduce_sum3A_245 : f32 to vector<16xf32>
      %select_n3A_247 = arith.select %eq3A_241, %broadcast_in_dim3A_246, %select_n3A_219 : vector<16xi1>, vector<16xf32>
      %mul3A_248 = arith.constant 16 : i32
      %mul3A_249 = arith.muli %scan3A_26, %mul3A_248 : i32
      %add3A_250 = arith.constant 8 : i32
      %add3A_251 = arith.addi %mul3A_249, %add3A_250 : i32
      %get3A_252 = arith.index_cast %add3A_251 : i32 to index
      %get3A_253 = arith.constant 0 : index
      %get3A_254 = tpu.vector_load %arg11[%get3A_252, %get3A_253] {strides = array<i32>} : memref<512x32xf32, #tpu.memory_space<vmem>>, vector<16xf32>,
      %get3A_255 = arith.index_cast %add3A_251 : i32 to index
      %get3A_256 = arith.constant 0 : index
      %get3A_257 = tpu.vector_load %arg12[%get3A_255, %get3A_256] {strides = array<i32>} : memref<512x32xf32, #tpu.memory_space<vmem>>, vector<16xf32>,
      %mul3A_258 = arith.mulf %get3A_254, %get3A_257 : vector<16xf32>
      %get3A_259 = arith.index_cast %add3A_251 : i32 to index
      %get3A_260 = arith.constant 16 : index
      %get3A_261 = tpu.vector_load %arg11[%get3A_259, %get3A_260] {strides = array<i32>} : memref<512x32xf32, #tpu.memory_space<vmem>>, vector<16xf32>,
      %get3A_262 = arith.index_cast %add3A_251 : i32 to index
      %get3A_263 = arith.constant 16 : index
      %get3A_264 = tpu.vector_load %arg12[%get3A_262, %get3A_263] {strides = array<i32>} : memref<512x32xf32, #tpu.memory_space<vmem>>, vector<16xf32>,
      %mul3A_265 = arith.mulf %get3A_261, %get3A_264 : vector<16xf32>
      %add3A_266 = arith.addf %mul3A_258, %mul3A_265 : vector<16xf32>
      %eq3A_267 = arith.constant 8 : i32
      %eq3A_268 = vector.broadcast %eq3A_267 : i32 to vector<16xi32>
      %eq3A_269 = arith.cmpi eq, %iota3A, %eq3A_268 : vector<16xi32>
      %reduce_sum3A_270 = arith.constant true
      %reduce_sum3A_271 = vector.broadcast %reduce_sum3A_270 : i1 to vector<16xi1>
      %reduce_sum3A_272 = tpu.scan <sum>, %add3A_266 masked %reduce_sum3A_271 : vector<16xf32>, vector<16xi1> -> vector<16xf32>
      %reduce_sum3A_273 = vector.extract %reduce_sum3A_272[15] : f32 from vector<16xf32>
      %broadcast_in_dim3A_274 = vector.broadcast %reduce_sum3A_273 : f32 to vector<16xf32>
      %select_n3A_275 = arith.select %eq3A_269, %broadcast_in_dim3A_274, %select_n3A_247 : vector<16xi1>, vector<16xf32>
      %mul3A_276 = arith.constant 16 : i32
      %mul3A_277 = arith.muli %scan3A_26, %mul3A_276 : i32
      %add3A_278 = arith.constant 9 : i32
      %add3A_279 = arith.addi %mul3A_277, %add3A_278 : i32
      %get3A_280 = arith.index_cast %add3A_279 : i32 to index
      %get3A_281 = arith.constant 0 : index
      %get3A_282 = tpu.vector_load %arg11[%get3A_280, %get3A_281] {strides = array<i32>} : memref<512x32xf32, #tpu.memory_space<vmem>>, vector<16xf32>,
      %get3A_283 = arith.index_cast %add3A_279 : i32 to index
      %get3A_284 = arith.constant 0 : index
      %get3A_285 = tpu.vector_load %arg12[%get3A_283, %get3A_284] {strides = array<i32>} : memref<512x32xf32, #tpu.memory_space<vmem>>, vector<16xf32>,
      %mul3A_286 = arith.mulf %get3A_282, %get3A_285 : vector<16xf32>
      %get3A_287 = arith.index_cast %add3A_279 : i32 to index
      %get3A_288 = arith.constant 16 : index
      %get3A_289 = tpu.vector_load %arg11[%get3A_287, %get3A_288] {strides = array<i32>} : memref<512x32xf32, #tpu.memory_space<vmem>>, vector<16xf32>,
      %get3A_290 = arith.index_cast %add3A_279 : i32 to index
      %get3A_291 = arith.constant 16 : index
      %get3A_292 = tpu.vector_load %arg12[%get3A_290, %get3A_291] {strides = array<i32>} : memref<512x32xf32, #tpu.memory_space<vmem>>, vector<16xf32>,
      %mul3A_293 = arith.mulf %get3A_289, %get3A_292 : vector<16xf32>
      %add3A_294 = arith.addf %mul3A_286, %mul3A_293 : vector<16xf32>
      %eq3A_295 = arith.constant 9 : i32
      %eq3A_296 = vector.broadcast %eq3A_295 : i32 to vector<16xi32>
      %eq3A_297 = arith.cmpi eq, %iota3A, %eq3A_296 : vector<16xi32>
      %reduce_sum3A_298 = arith.constant true
      %reduce_sum3A_299 = vector.broadcast %reduce_sum3A_298 : i1 to vector<16xi1>
      %reduce_sum3A_300 = tpu.scan <sum>, %add3A_294 masked %reduce_sum3A_299 : vector<16xf32>, vector<16xi1> -> vector<16xf32>
      %reduce_sum3A_301 = vector.extract %reduce_sum3A_300[15] : f32 from vector<16xf32>
      %broadcast_in_dim3A_302 = vector.broadcast %reduce_sum3A_301 : f32 to vector<16xf32>
      %select_n3A_303 = arith.select %eq3A_297, %broadcast_in_dim3A_302, %select_n3A_275 : vector<16xi1>, vector<16xf32>
      %mul3A_304 = arith.constant 16 : i32
      %mul3A_305 = arith.muli %scan3A_26, %mul3A_304 : i32
      %add3A_306 = arith.constant 10 : i32
      %add3A_307 = arith.addi %mul3A_305, %add3A_306 : i32
      %get3A_308 = arith.index_cast %add3A_307 : i32 to index
      %get3A_309 = arith.constant 0 : index
      %get3A_310 = tpu.vector_load %arg11[%get3A_308, %get3A_309] {strides = array<i32>} : memref<512x32xf32, #tpu.memory_space<vmem>>, vector<16xf32>,
      %get3A_311 = arith.index_cast %add3A_307 : i32 to index
      %get3A_312 = arith.constant 0 : index
      %get3A_313 = tpu.vector_load %arg12[%get3A_311, %get3A_312] {strides = array<i32>} : memref<512x32xf32, #tpu.memory_space<vmem>>, vector<16xf32>,
      %mul3A_314 = arith.mulf %get3A_310, %get3A_313 : vector<16xf32>
      %get3A_315 = arith.index_cast %add3A_307 : i32 to index
      %get3A_316 = arith.constant 16 : index
      %get3A_317 = tpu.vector_load %arg11[%get3A_315, %get3A_316] {strides = array<i32>} : memref<512x32xf32, #tpu.memory_space<vmem>>, vector<16xf32>,
      %get3A_318 = arith.index_cast %add3A_307 : i32 to index
      %get3A_319 = arith.constant 16 : index
      %get3A_320 = tpu.vector_load %arg12[%get3A_318, %get3A_319] {strides = array<i32>} : memref<512x32xf32, #tpu.memory_space<vmem>>, vector<16xf32>,
      %mul3A_321 = arith.mulf %get3A_317, %get3A_320 : vector<16xf32>
      %add3A_322 = arith.addf %mul3A_314, %mul3A_321 : vector<16xf32>
      %eq3A_323 = arith.constant 10 : i32
      %eq3A_324 = vector.broadcast %eq3A_323 : i32 to vector<16xi32>
      %eq3A_325 = arith.cmpi eq, %iota3A, %eq3A_324 : vector<16xi32>
      %reduce_sum3A_326 = arith.constant true
      %reduce_sum3A_327 = vector.broadcast %reduce_sum3A_326 : i1 to vector<16xi1>
      %reduce_sum3A_328 = tpu.scan <sum>, %add3A_322 masked %reduce_sum3A_327 : vector<16xf32>, vector<16xi1> -> vector<16xf32>
      %reduce_sum3A_329 = vector.extract %reduce_sum3A_328[15] : f32 from vector<16xf32>
      %broadcast_in_dim3A_330 = vector.broadcast %reduce_sum3A_329 : f32 to vector<16xf32>
      %select_n3A_331 = arith.select %eq3A_325, %broadcast_in_dim3A_330, %select_n3A_303 : vector<16xi1>, vector<16xf32>
      %mul3A_332 = arith.constant 16 : i32
      %mul3A_333 = arith.muli %scan3A_26, %mul3A_332 : i32
      %add3A_334 = arith.constant 11 : i32
      %add3A_335 = arith.addi %mul3A_333, %add3A_334 : i32
      %get3A_336 = arith.index_cast %add3A_335 : i32 to index
      %get3A_337 = arith.constant 0 : index
      %get3A_338 = tpu.vector_load %arg11[%get3A_336, %get3A_337] {strides = array<i32>} : memref<512x32xf32, #tpu.memory_space<vmem>>, vector<16xf32>,
      %get3A_339 = arith.index_cast %add3A_335 : i32 to index
      %get3A_340 = arith.constant 0 : index
      %get3A_341 = tpu.vector_load %arg12[%get3A_339, %get3A_340] {strides = array<i32>} : memref<512x32xf32, #tpu.memory_space<vmem>>, vector<16xf32>,
      %mul3A_342 = arith.mulf %get3A_338, %get3A_341 : vector<16xf32>
      %get3A_343 = arith.index_cast %add3A_335 : i32 to index
      %get3A_344 = arith.constant 16 : index
      %get3A_345 = tpu.vector_load %arg11[%get3A_343, %get3A_344] {strides = array<i32>} : memref<512x32xf32, #tpu.memory_space<vmem>>, vector<16xf32>,
      %get3A_346 = arith.index_cast %add3A_335 : i32 to index
      %get3A_347 = arith.constant 16 : index
      %get3A_348 = tpu.vector_load %arg12[%get3A_346, %get3A_347] {strides = array<i32>} : memref<512x32xf32, #tpu.memory_space<vmem>>, vector<16xf32>,
      %mul3A_349 = arith.mulf %get3A_345, %get3A_348 : vector<16xf32>
      %add3A_350 = arith.addf %mul3A_342, %mul3A_349 : vector<16xf32>
      %eq3A_351 = arith.constant 11 : i32
      %eq3A_352 = vector.broadcast %eq3A_351 : i32 to vector<16xi32>
      %eq3A_353 = arith.cmpi eq, %iota3A, %eq3A_352 : vector<16xi32>
      %reduce_sum3A_354 = arith.constant true
      %reduce_sum3A_355 = vector.broadcast %reduce_sum3A_354 : i1 to vector<16xi1>
      %reduce_sum3A_356 = tpu.scan <sum>, %add3A_350 masked %reduce_sum3A_355 : vector<16xf32>, vector<16xi1> -> vector<16xf32>
      %reduce_sum3A_357 = vector.extract %reduce_sum3A_356[15] : f32 from vector<16xf32>
      %broadcast_in_dim3A_358 = vector.broadcast %reduce_sum3A_357 : f32 to vector<16xf32>
      %select_n3A_359 = arith.select %eq3A_353, %broadcast_in_dim3A_358, %select_n3A_331 : vector<16xi1>, vector<16xf32>
      %mul3A_360 = arith.constant 16 : i32
      %mul3A_361 = arith.muli %scan3A_26, %mul3A_360 : i32
      %add3A_362 = arith.constant 12 : i32
      %add3A_363 = arith.addi %mul3A_361, %add3A_362 : i32
      %get3A_364 = arith.index_cast %add3A_363 : i32 to index
      %get3A_365 = arith.constant 0 : index
      %get3A_366 = tpu.vector_load %arg11[%get3A_364, %get3A_365] {strides = array<i32>} : memref<512x32xf32, #tpu.memory_space<vmem>>, vector<16xf32>,
      %get3A_367 = arith.index_cast %add3A_363 : i32 to index
      %get3A_368 = arith.constant 0 : index
      %get3A_369 = tpu.vector_load %arg12[%get3A_367, %get3A_368] {strides = array<i32>} : memref<512x32xf32, #tpu.memory_space<vmem>>, vector<16xf32>,
      %mul3A_370 = arith.mulf %get3A_366, %get3A_369 : vector<16xf32>
      %get3A_371 = arith.index_cast %add3A_363 : i32 to index
      %get3A_372 = arith.constant 16 : index
      %get3A_373 = tpu.vector_load %arg11[%get3A_371, %get3A_372] {strides = array<i32>} : memref<512x32xf32, #tpu.memory_space<vmem>>, vector<16xf32>,
      %get3A_374 = arith.index_cast %add3A_363 : i32 to index
      %get3A_375 = arith.constant 16 : index
      %get3A_376 = tpu.vector_load %arg12[%get3A_374, %get3A_375] {strides = array<i32>} : memref<512x32xf32, #tpu.memory_space<vmem>>, vector<16xf32>,
      %mul3A_377 = arith.mulf %get3A_373, %get3A_376 : vector<16xf32>
      %add3A_378 = arith.addf %mul3A_370, %mul3A_377 : vector<16xf32>
      %eq3A_379 = arith.constant 12 : i32
      %eq3A_380 = vector.broadcast %eq3A_379 : i32 to vector<16xi32>
      %eq3A_381 = arith.cmpi eq, %iota3A, %eq3A_380 : vector<16xi32>
      %reduce_sum3A_382 = arith.constant true
      %reduce_sum3A_383 = vector.broadcast %reduce_sum3A_382 : i1 to vector<16xi1>
      %reduce_sum3A_384 = tpu.scan <sum>, %add3A_378 masked %reduce_sum3A_383 : vector<16xf32>, vector<16xi1> -> vector<16xf32>
      %reduce_sum3A_385 = vector.extract %reduce_sum3A_384[15] : f32 from vector<16xf32>
      %broadcast_in_dim3A_386 = vector.broadcast %reduce_sum3A_385 : f32 to vector<16xf32>
      %select_n3A_387 = arith.select %eq3A_381, %broadcast_in_dim3A_386, %select_n3A_359 : vector<16xi1>, vector<16xf32>
      %mul3A_388 = arith.constant 16 : i32
      %mul3A_389 = arith.muli %scan3A_26, %mul3A_388 : i32
      %add3A_390 = arith.constant 13 : i32
      %add3A_391 = arith.addi %mul3A_389, %add3A_390 : i32
      %get3A_392 = arith.index_cast %add3A_391 : i32 to index
      %get3A_393 = arith.constant 0 : index
      %get3A_394 = tpu.vector_load %arg11[%get3A_392, %get3A_393] {strides = array<i32>} : memref<512x32xf32, #tpu.memory_space<vmem>>, vector<16xf32>,
      %get3A_395 = arith.index_cast %add3A_391 : i32 to index
      %get3A_396 = arith.constant 0 : index
      %get3A_397 = tpu.vector_load %arg12[%get3A_395, %get3A_396] {strides = array<i32>} : memref<512x32xf32, #tpu.memory_space<vmem>>, vector<16xf32>,
      %mul3A_398 = arith.mulf %get3A_394, %get3A_397 : vector<16xf32>
      %get3A_399 = arith.index_cast %add3A_391 : i32 to index
      %get3A_400 = arith.constant 16 : index
      %get3A_401 = tpu.vector_load %arg11[%get3A_399, %get3A_400] {strides = array<i32>} : memref<512x32xf32, #tpu.memory_space<vmem>>, vector<16xf32>,
      %get3A_402 = arith.index_cast %add3A_391 : i32 to index
      %get3A_403 = arith.constant 16 : index
      %get3A_404 = tpu.vector_load %arg12[%get3A_402, %get3A_403] {strides = array<i32>} : memref<512x32xf32, #tpu.memory_space<vmem>>, vector<16xf32>,
      %mul3A_405 = arith.mulf %get3A_401, %get3A_404 : vector<16xf32>
      %add3A_406 = arith.addf %mul3A_398, %mul3A_405 : vector<16xf32>
      %eq3A_407 = arith.constant 13 : i32
      %eq3A_408 = vector.broadcast %eq3A_407 : i32 to vector<16xi32>
      %eq3A_409 = arith.cmpi eq, %iota3A, %eq3A_408 : vector<16xi32>
      %reduce_sum3A_410 = arith.constant true
      %reduce_sum3A_411 = vector.broadcast %reduce_sum3A_410 : i1 to vector<16xi1>
      %reduce_sum3A_412 = tpu.scan <sum>, %add3A_406 masked %reduce_sum3A_411 : vector<16xf32>, vector<16xi1> -> vector<16xf32>
      %reduce_sum3A_413 = vector.extract %reduce_sum3A_412[15] : f32 from vector<16xf32>
      %broadcast_in_dim3A_414 = vector.broadcast %reduce_sum3A_413 : f32 to vector<16xf32>
      %select_n3A_415 = arith.select %eq3A_409, %broadcast_in_dim3A_414, %select_n3A_387 : vector<16xi1>, vector<16xf32>
      %mul3A_416 = arith.constant 16 : i32
      %mul3A_417 = arith.muli %scan3A_26, %mul3A_416 : i32
      %add3A_418 = arith.constant 14 : i32
      %add3A_419 = arith.addi %mul3A_417, %add3A_418 : i32
      %get3A_420 = arith.index_cast %add3A_419 : i32 to index
      %get3A_421 = arith.constant 0 : index
      %get3A_422 = tpu.vector_load %arg11[%get3A_420, %get3A_421] {strides = array<i32>} : memref<512x32xf32, #tpu.memory_space<vmem>>, vector<16xf32>,
      %get3A_423 = arith.index_cast %add3A_419 : i32 to index
      %get3A_424 = arith.constant 0 : index
      %get3A_425 = tpu.vector_load %arg12[%get3A_423, %get3A_424] {strides = array<i32>} : memref<512x32xf32, #tpu.memory_space<vmem>>, vector<16xf32>,
      %mul3A_426 = arith.mulf %get3A_422, %get3A_425 : vector<16xf32>
      %get3A_427 = arith.index_cast %add3A_419 : i32 to index
      %get3A_428 = arith.constant 16 : index
      %get3A_429 = tpu.vector_load %arg11[%get3A_427, %get3A_428] {strides = array<i32>} : memref<512x32xf32, #tpu.memory_space<vmem>>, vector<16xf32>,
      %get3A_430 = arith.index_cast %add3A_419 : i32 to index
      %get3A_431 = arith.constant 16 : index
      %get3A_432 = tpu.vector_load %arg12[%get3A_430, %get3A_431] {strides = array<i32>} : memref<512x32xf32, #tpu.memory_space<vmem>>, vector<16xf32>,
      %mul3A_433 = arith.mulf %get3A_429, %get3A_432 : vector<16xf32>
      %add3A_434 = arith.addf %mul3A_426, %mul3A_433 : vector<16xf32>
      %eq3A_435 = arith.constant 14 : i32
      %eq3A_436 = vector.broadcast %eq3A_435 : i32 to vector<16xi32>
      %eq3A_437 = arith.cmpi eq, %iota3A, %eq3A_436 : vector<16xi32>
      %reduce_sum3A_438 = arith.constant true
      %reduce_sum3A_439 = vector.broadcast %reduce_sum3A_438 : i1 to vector<16xi1>
      %reduce_sum3A_440 = tpu.scan <sum>, %add3A_434 masked %reduce_sum3A_439 : vector<16xf32>, vector<16xi1> -> vector<16xf32>
      %reduce_sum3A_441 = vector.extract %reduce_sum3A_440[15] : f32 from vector<16xf32>
      %broadcast_in_dim3A_442 = vector.broadcast %reduce_sum3A_441 : f32 to vector<16xf32>
      %select_n3A_443 = arith.select %eq3A_437, %broadcast_in_dim3A_442, %select_n3A_415 : vector<16xi1>, vector<16xf32>
      %mul3A_444 = arith.constant 16 : i32
      %mul3A_445 = arith.muli %scan3A_26, %mul3A_444 : i32
      %add3A_446 = arith.constant 15 : i32
      %add3A_447 = arith.addi %mul3A_445, %add3A_446 : i32
      %get3A_448 = arith.index_cast %add3A_447 : i32 to index
      %get3A_449 = arith.constant 0 : index
      %get3A_450 = tpu.vector_load %arg11[%get3A_448, %get3A_449] {strides = array<i32>} : memref<512x32xf32, #tpu.memory_space<vmem>>, vector<16xf32>,
      %get3A_451 = arith.index_cast %add3A_447 : i32 to index
      %get3A_452 = arith.constant 0 : index
      %get3A_453 = tpu.vector_load %arg12[%get3A_451, %get3A_452] {strides = array<i32>} : memref<512x32xf32, #tpu.memory_space<vmem>>, vector<16xf32>,
      %mul3A_454 = arith.mulf %get3A_450, %get3A_453 : vector<16xf32>
      %get3A_455 = arith.index_cast %add3A_447 : i32 to index
      %get3A_456 = arith.constant 16 : index
      %get3A_457 = tpu.vector_load %arg11[%get3A_455, %get3A_456] {strides = array<i32>} : memref<512x32xf32, #tpu.memory_space<vmem>>, vector<16xf32>,
      %get3A_458 = arith.index_cast %add3A_447 : i32 to index
      %get3A_459 = arith.constant 16 : index
      %get3A_460 = tpu.vector_load %arg12[%get3A_458, %get3A_459] {strides = array<i32>} : memref<512x32xf32, #tpu.memory_space<vmem>>, vector<16xf32>,
      %mul3A_461 = arith.mulf %get3A_457, %get3A_460 : vector<16xf32>
      %add3A_462 = arith.addf %mul3A_454, %mul3A_461 : vector<16xf32>
      %eq3A_463 = arith.constant 15 : i32
      %eq3A_464 = vector.broadcast %eq3A_463 : i32 to vector<16xi32>
      %eq3A_465 = arith.cmpi eq, %iota3A, %eq3A_464 : vector<16xi32>
      %reduce_sum3A_466 = arith.constant true
      %reduce_sum3A_467 = vector.broadcast %reduce_sum3A_466 : i1 to vector<16xi1>
      %reduce_sum3A_468 = tpu.scan <sum>, %add3A_462 masked %reduce_sum3A_467 : vector<16xf32>, vector<16xi1> -> vector<16xf32>
      %reduce_sum3A_469 = vector.extract %reduce_sum3A_468[15] : f32 from vector<16xf32>
      %broadcast_in_dim3A_470 = vector.broadcast %reduce_sum3A_469 : f32 to vector<16xf32>
      %select_n3A_471 = arith.select %eq3A_465, %broadcast_in_dim3A_470, %select_n3A_443 : vector<16xi1>, vector<16xf32>
      %mul3A_472 = arith.constant 16 : i32
      %mul3A_473 = arith.muli %scan3A_26, %mul3A_472 : i32
      %get3A_474 = arith.index_cast %mul3A_473 : i32 to index
      %get3A_475 = tpu.vector_load %arg13[%get3A_474] {strides = array<i32>} : memref<512xf32, #tpu.memory_space<vmem>>, vector<16xf32>,
      %add3A_476 = arith.addf %select_n3A_471, %get3A_475 : vector<16xf32>
      %mul3A_477 = arith.constant 16 : i32
      %mul3A_478 = arith.muli %scan3A_26, %mul3A_477 : i32
      %get3A_479 = arith.index_cast %mul3A_478 : i32 to index
      %get3A_480 = tpu.vector_load %arg14[%get3A_479] {strides = array<i32>} : memref<512xf32, #tpu.memory_space<vmem>>, vector<16xf32>,
      %add3A_481 = arith.addf %add3A_476, %get3A_480 : vector<16xf32>
      %broadcast_in_dim3A_482 = arith.constant 0.000000e+00 : f32
      %broadcast_in_dim3A_483 = vector.broadcast %broadcast_in_dim3A_482 : f32 to vector<16xf32>
      %max3A = arith.maximumf %add3A_481, %broadcast_in_dim3A_483 : vector<16xf32>
      %broadcast_in_dim3A_484 = arith.constant 5.000000e+00 : f32
      %broadcast_in_dim3A_485 = vector.broadcast %broadcast_in_dim3A_484 : f32 to vector<16xf32>
      %min3A = arith.minimumf %max3A, %broadcast_in_dim3A_485 : vector<16xf32>
      %mul3A_486 = arith.constant 16 : i32
      %mul3A_487 = arith.muli %scan3A_26, %mul3A_486 : i32
      %swap3A = arith.index_cast %mul3A_487 : i32 to index
      %swap3A_488 = tpu.vector_load %arg15[%swap3A] {strides = array<i32>} : memref<512xf32, #tpu.memory_space<vmem>>, vector<16xf32>,
      tpu.vector_store %arg15[%swap3A], %min3A {strides = array<i32>} : memref<512xf32, #tpu.memory_space<vmem>>, vector<16xf32>,
    }
    %scan3A_25 = arith.constant 32 : i32
    "tpu.region"() ({
      %run_scoped3A = tpu.sem_alloc : memref<!tpu.dma_semaphore, #tpu.memory_space<semaphore_mem>>
      %dma_start3A_26 = tpu.memref_slice %arg8[%mul3A_2] : memref<16384xf32, #tpu.memory_space<hbm>> -> memref<512xf32, #tpu.memory_space<hbm>>
      %dma_start3A_27 = tpu.memref_slice %arg8[%mul3A_2] : memref<16384xf32, #tpu.memory_space<hbm>> -> memref<512xf32, #tpu.memory_space<hbm>>
      tpu.enqueue_dma source(%arg15 : memref<512xf32, #tpu.memory_space<vmem>>) target(%dma_start3A_27 : memref<512xf32, #tpu.memory_space<hbm>>) target_semaphore(%run_scoped3A : memref<!tpu.dma_semaphore, #tpu.memory_space<semaphore_mem>>)
      %dma_wait3A_28 = tpu.memref_slice %arg8[%mul3A_2] : memref<16384xf32, #tpu.memory_space<hbm>> -> memref<512xf32, #tpu.memory_space<hbm>>
      %dma_wait3A_29 = tpu.memref_slice %arg8[%mul3A_2] : memref<16384xf32, #tpu.memory_space<hbm>> -> memref<512xf32, #tpu.memory_space<hbm>>
      tpu.wait_dma2 semaphore(%run_scoped3A : memref<!tpu.dma_semaphore, #tpu.memory_space<semaphore_mem>>) src(%arg15 : memref<512xf32, #tpu.memory_space<vmem>>) dst(%dma_wait3A_29 : memref<512xf32, #tpu.memory_space<hbm>>)
      tpu.yield
    }) : () -> ()
    return
  }
}

</mosaic_0001>

<sc_bundles>
// kernel: kernel.3.cloned.1.call-start
scs
__scs_entry_jumppad:
0x0: {  	(pc) =	sbr.rel $0x88, $3  }
0x1: {  	(tag) =	ssettag $0x0;
	lr =	simm.s32 $0x1  }
0x2: {  	[smem:$0x3F9B] =	sst lr;
	_ =	strace $0xD0000000  }
0x3: {  	_ = 	snop  }
0x4: {  	_ = 	snop  }
0x5: {  	_ = 	snop  }
0x6: {  	_ = 	snop  }
0x7: {  	_ = 	snop  }
__scs_overlays_trampoline_lowered:
0x8: {  	[smem:$0x3FAA] =	sst s0  }
0x9: {  	[smem:$0x3FAB] =	sst s1  }
0xa: {  	[smem:$0x3FAC] =	sst s2  }
0xb: {  	[smem:$0x3FAD] =	sst s3  }
0xc: {  	[smem:$0x3FAE] =	sst s4  }
0xd: {  	[smem:$0x3FAF] =	sst s5  }
0xe: {  	[smem:$0x3FB0] =	sst s6  }
0xf: {  	[smem:$0x3FB1] =	sst s7  }
0x10: {  	[smem:$0x3FB2] =	sst s8  }
0x11: {  	[smem:$0x3FB3] =	sst s9;
	s0 =	simm.s32 @!p0 $0x0  }
0x12: {  	s1 =	sld [smem:$0x3F99];
	s0 =	simm.s32 @p0 $0x1  }
0x13: {  	[smem:$0x3FB4] =	sst s0;
	s0 =	simm.s32 @!p1 $0x0  }
0x14: {  	s2 =	sld [smem:$0x3F98];
	s0 =	simm.s32 @p1 $0x1  }
0x15: {  	[smem:$0x3FB5] =	sst s0;
	s0 =	simm.s32 @!p2 $0x0  }
0x16: {  	s3 =	sld [smem:$0x3FDB];
	s0 =	simm.s32 @p2 $0x1  }
0x17: {  	s4 =	simm.s32 $0x1BF5;
	[smem:$0x3FB7] =	sst s0  }
0x18: {  	s0 =	sld [smem:$0x3F9A];
	_ =	swait.ge [sflag:s4], $0x0  }
0x19: {  	s7 =	sld [smem:$0x3F9B]  }
0x1a: {  	s8 =	sadd.s32 $0xFFFFE003, lr  }
0x1b: {  	s9 =	sadd.s32 $0xFFFFFEF7, lr;
	s5 =	simm.s32 $0xFFFFFFFF;
	p2 =	slt.u32 s8, $0xFFFFF086  }
0x1c: {  	p1 =	slt.u32 s9, $0xF7A;
	s5 =	simm.s32 @!p2 $0x0  }
0x1d: {  	s5 =	simm.s32 @p1 $0x1;
	p0 =	seq.s32 s7, s2  }
0x1e: {  	s7 =	smul.u32 @!p0 $0xF7A, s2;
	p2 =	seq.s32 @!p0 s5, $0x0  }
0x1f: {  	s9 =	smul.u32 $0xF7A, s1;
	s8 =	simm.s32 @!p0 $0x1BF5;
	p2 =	por !p2, p0  }
0x20: {  	[sflag:s8] =	ssyncset.s32 @!p0 $0xFFFFF086;
	s6 =	sadd.s32 @!p0 s3, s7;
	s7 =	simm.s32 @!p0 $0x108  }
0x21: {  	s3 =	sadd.s32 s3, s9;
	s6 =	sadd.s32 @!p0 $0x88, s6;
	s7 =	simm.s32 @p2 $0x1082  }
0x22: {  	[simem:s7], [sflag:s8] =	dma.local @!p0 [hbm:s6], $0xF7A  }
0x23: {  	s9 =	sor.u32 $0xD0000000, s2;
	s6 =	simm.s32 $0x108;
	_ =	swait.ge @!p0 [sflag:s8], $0x0  }
0x24: {  	s3 =	sadd.s32 $0x88, s3;
	s6 =	simm.s32 @!p1 $0x1082;
	[sflag:s4] =	ssyncset.s32 $0xFFFFF086  }
0x25: {  	[simem:s6], [sflag:s4] =	dma.local [hbm:s3], $0xF7A  }
0x26: {  	[smem:$0x3F9B] =	sst s1;
	(tag) =	ssettag s2;
	_ =	strace s9  }
0x27: {  	s1 =	sld [smem:$0x3FAB]  }
0x28: {  	s2 =	sld [smem:$0x3FAC]  }
0x29: {  	s4 =	sld [smem:$0x3FAE]  }
0x2a: {  	p0 =	seq.s32 s5, $0x0;
	s5 =	sld [smem:$0x3FAF]  }
0x2b: {  	s6 =	sld [smem:$0x3FB0]  }
0x2c: {  	s7 =	sld [smem:$0x3FB1]  }
0x2d: {  	s3 =	simm.s32 $0x108;
	s8 =	sld [smem:$0x3FB2]  }
0x2e: {  	s3 =	simm.s32 @!p0 $0x1082;
	s9 =	sld [smem:$0x3FB3]  }
0x2f: {  	lr =	sadd.s32 s0, s3;
	s0 =	sld [smem:$0x3FAA]  }
0x30: {  	s3 =	sld [smem:$0x3FAD]  }
0x31: {  	[smem:$0x3FB6] =	sst s10  }
0x32: {  	s10 =	sld [smem:$0x3FB4];
	_ =	sdelay $0x3  }
0x33: {  	p0 =	seq.s32 s10, $0x1;
	s10 =	sld [smem:$0x3FB6];
	_ =	sdelay $0x3  }
0x34: {  	[smem:$0x3FB6] =	sst s10  }
0x35: {  	s10 =	sld [smem:$0x3FB5];
	_ =	sdelay $0x3  }
0x36: {  	p1 =	seq.s32 s10, $0x1;
	s10 =	sld [smem:$0x3FB6];
	_ =	sdelay $0x3  }
0x37: {  	[smem:$0x3FB6] =	sst s10  }
0x38: {  	s10 =	sld [smem:$0x3FB7]  }
0x39: {  	_ = 	snop;
	(pc) =	sbr.ind lr, $3  }
0x3a: {  	_ = 	snop  }
0x3b: {  	_ = 	snop  }
0x3c: {  	p2 =	seq.s32 s10, $0x1;
	s10 =	sld [smem:$0x3FB6]  }
0x3d: {  	_ =	shalt  }
0x3e: {  	_ =	shalt  }
0x3f: {  	_ =	shalt  }
0x40: {  	_ =	shalt  }
0x41: {  	_ =	shalt  }
0x42: {  	_ =	shalt  }
0x43: {  	_ =	shalt  }
0x44: {  	_ =	shalt  }
0x45: {  	_ =	shalt  }
0x46: {  	_ =	shalt  }
0x47: {  	_ =	shalt  }
0x48: {  	_ =	shalt  }
0x49: {  	_ =	shalt  }
0x4a: {  	_ =	shalt  }
0x4b: {  	_ =	shalt  }
0x4c: {  	_ =	shalt  }
0x4d: {  	_ =	shalt  }
0x4e: {  	_ =	shalt  }
0x4f: {  	_ =	shalt  }
0x50: {  	_ =	shalt  }
0x51: {  	_ =	shalt  }
0x52: {  	_ =	shalt  }
0x53: {  	_ =	shalt  }
0x54: {  	_ =	shalt  }
0x55: {  	_ =	shalt  }
0x56: {  	_ =	shalt  }
0x57: {  	_ =	shalt  }
0x58: {  	_ =	shalt  }
0x59: {  	_ =	shalt  }
0x5a: {  	_ =	shalt  }
0x5b: {  	_ =	shalt  }
0x5c: {  	_ =	shalt  }
0x5d: {  	_ =	shalt  }
0x5e: {  	_ =	shalt  }
0x5f: {  	_ =	shalt  }
0x60: {  	_ =	shalt  }
0x61: {  	_ =	shalt  }
0x62: {  	_ =	shalt  }
0x63: {  	_ =	shalt  }
0x64: {  	_ =	shalt  }
0x65: {  	_ =	shalt  }
0x66: {  	_ =	shalt  }
0x67: {  	_ =	shalt  }
0x68: {  	_ =	shalt  }
0x69: {  	_ =	shalt  }
0x6a: {  	_ =	shalt  }
0x6b: {  	_ =	shalt  }
0x6c: {  	_ =	shalt  }
0x6d: {  	_ =	shalt  }
0x6e: {  	_ =	shalt  }
0x6f: {  	_ =	shalt  }
0x70: {  	_ =	shalt  }
0x71: {  	_ =	shalt  }
0x72: {  	_ =	shalt  }
0x73: {  	_ =	shalt  }
0x74: {  	_ =	shalt  }
0x75: {  	_ =	shalt  }
0x76: {  	_ =	shalt  }
0x77: {  	_ =	shalt  }
0x78: {  	_ =	shalt  }
0x79: {  	_ =	shalt  }
0x7a: {  	_ =	shalt  }
0x7b: {  	_ =	shalt  }
0x7c: {  	_ =	shalt  }
0x7d: {  	_ =	shalt  }
0x7e: {  	_ =	shalt  }
0x7f: {  	_ =	shalt  }
0x80: {  	_ =	shalt  }
0x81: {  	_ =	shalt  }
0x82: {  	_ =	shalt  }
0x83: {  	_ =	shalt  }
0x84: {  	_ =	shalt  }
0x85: {  	_ =	shalt  }
0x86: {  	_ =	shalt  }
0x87: {  	_ =	shalt  }
.Lfunc_end0:
.L_simem_size_0:
called_computation_lowered:
.L_overlay_start_0:
0x88: {  	s2 =	sld [smem:$0x3FD9]  }
0x89: {  	s3 =	sld [smem:$0x3FFE];
	_ =	sdelay $0x1  }
0x8a: {  	s1 =	srdreg.scid  }
0x8b: {  	s0 =	sand.u32 $0x1, s1  }
0x8c: {  	s17 =	sshll.u32 s0, $0xA;
	s2 =	sadd.s32 s3, s2  }
0x8d: {  	s2 =	sadd.s32 s2, s17  }
0x8e: {  	[smem:$0x3FC2] =	sst s2  }
0x8f: {  	_ = 	snop  }
0x90: {  	s2 =	sld [smem:$0x3FC9]  }
0x91: {  	s18 =	sld [smem:$0x3FC8]  }
0x92: {  	s4 =	sld [smem:$0x3FD0];
	(tm) =	ssettm $0x1  }
0x93: {  	s5 =	sld [smem:$0x3FFB];
	_ =	sdelay $0x3  }
0x94: {  	_ =	strace s5  }
0x95: {  	s5 =	sld [smem:$0x3FFC];
	_ =	sdelay $0x3  }
0x96: {  	_ =	strace s5  }
0x97: {  	s5 =	sld [smem:$0x3FFD];
	_ =	sdelay $0x3  }
0x98: {  	_ =	strace s5  }
0x99: {  	_ =	strace $0x8FFFFFFF  }
0x9a: {  	s19 =	sld [smem:$0x3FDB];
	_ =	sdelay $0x1  }
0x9b: {  	s6 =	simm.s32 $_scs_section_size  }
0x9c: {  	s7 =	simm.s32 $_size__tile_overlayer_lowered;
	s8 =	simm.s32 $_tile_overlayer_lowered  }
0x9d: {  	s22 =	simm.s32 $0x1BFF;
	s21 =	sshll.u32 s8, $0x1;
	s5 =	sadd.s32 s6, s19  }
0x9e: {  	s9 =	simm.s32 $0x0;
	s20 =	sshll.u32 s7, $0x1;
	s7 =	sadd.s32 s21, s5  }
0x9f: {  	[timem:s9], [sflag:s22] =	dma.local [hbm:s7], s20  }
0xa0: {  	_ =	swait.ge [sflag:s22], s20  }
0xa1: {  	s6 =	ssub.s32 $0x0, s20;
	[sflag:s22] =	ssyncset.done $0x0  }
0xa2: {  	[sflag:s22] =	ssyncadd.s32 s6;
	_ =	sdelay $0x1  }
0xa3: {  	s23 =	simm.s32 $0x1B8B  }
0xa4: {  	_ =	swait.ge [sflag:s23], $0x1  }
0xa5: {  	[sflag:s23] =	ssyncset.done $0x0  }
0xa6: {  	s25 =	simm.s32 $0x1B8E;
	s24 =	sld [smem:$0x3FFE];
	[sflag:s23] =	ssyncadd.s32 $0xFFFFFFFF  }
0xa7: {  	s26 =	simm.s32 $execute0_lowered;
	[smem:$0x3FD2] =	sst s25  }
0xa8: {  	s7 =	sshll.u32 s26, $0x1;
	_ =	strace $0x80000046;
	[dreg:$0x1] =	wrdreg $0xFFFFFFFF  }
0xa9: {  	s28 =	simm.s32 $_size_execute0_lowered;
	s5 =	sadd.s32 s5, s7;
	[dreg:$0x0] =	wrdreg $0x0  }
0xaa: {  	s7 =	sshll.u32 s28, $0x1;
	[dreg:$0x2] =	wrdreg s5  }
0xab: {  	[dreg:$0x3] =	wrdreg s7  }
0xac: {  	[dreg:$0x4] =	wrdreg $0xC0  }
0xad: {  	_ =	task [dreg:s9], $0x5FFFF  }
0xae: {  	[dreg:$0x1] =	wrdreg $0xFFFFFFFF  }
0xaf: {  	[dreg:$0x0] =	wrdreg $0x60  }
0xb0: {  	[dreg:$0x2] =	wrdreg s2  }
0xb1: {  	[dreg:$0x3] =	wrdreg s18  }
0xb2: {  	[dreg:$0x4] =	wrdreg s24  }
0xb3: {  	[dreg:$0x5] =	wrdreg s4  }
0xb4: {  	[dreg:$0x6] =	wrdreg $0x9  }
0xb5: {  	_ =	task.clear_ibuf [dreg:s9], $0x7FFFF;
	_ =	strace $0x90000046  }
0xb6: {  	s29 =	simm.s32 $0x9;
	_ =	strace $0x80000048  }
0xb7: {  	_ =	swait.ge [sflag:s29], $0x1  }
0xb8: {  	[sflag:s29] =	ssyncadd.s32 $0xFFFFFFFF  }
0xb9: {  	_ =	strace $0x90000048  }
0xba: {  	_ =	sfence  }
0xbb: {  	s30 =	sld [smem:$0x0];
	_ =	sdelay $0x2  }
0xbc: {  	s31 =	sshll.u32 s1, $0xD;
	s1 =	sshrl.u32 s1, $0x2  }
0xbd: {  	s3 =	sand.u32 $0x4000, s31;
	s1 =	sadd.s32 s1, s30  }
0xbe: {  	s0 =	sor.u32 s3, s0;
	s1 =	sshll.u32 s1, $0x11  }
0xbf: {  	s0 =	sor.u32 s1, s0  }
0xc0: {  	s0 =	sadd.s32 $0x8F2B, s0  }
0xc1: {  	[sflag:s0] =	ssyncadd.remote.s32 $0x1  }
0xc2: {  	_ =	sfence.sel $0xFFFF  }
0xc3: {  	[dreg:$0x0] =	wrdreg $0xFFFFFFFF;
	(pc) =	sbr.abs _section_cstart, $3  }
0xc4: {  	[dreg:$0x1] =	wrdreg $0xFFFFFFFF  }
0xc5: {  	_ =	task.clear_ibuf [dreg:s9], $0x2FFFF;
	_ =	strace $0x9FFFFFFF  }
0xc6: {  	(tm) =	ssettm $0x7FFFFFFF  }
0xc7: {  	_ =	shalt  }
tec
execute0_lowered:
.L_overlay_start_1:
0x0: {  	(tag) =	ssettag $0x1  }
0x1: {  	s7 =	rddreg [dreg:$0x0]  }
0x2: {  	s8 =	rddreg [dreg:$0x1]  }
0x3: {  	s1 =	rddreg [dreg:$0x2]  }
0x4: {  	s9 =	rddreg [dreg:$0x3]  }
0x5: {  	s0 =	rddreg [dreg:$0x4];
	s2 =	simm.s32 $0x0  }
0x6: {  	s5 =	srdreg.scid;
	s3 =	stileid.u32;
	s13 =	simm.s32 $0x400  }
0x7: {  	s14 =	simm.s32 $0x4400;
	s15 =	simm.s32 $0x8400;
	s16 =	simm.s32 $0x8600  }
0x8: {  	s17 =	simm.s32 $0x1;
	s18 =	simm.s32 $0x8800;
	s19 =	simm.s32 $0x0  }
0x9: {  	[smem:$0x7FF] =	sst s2;
	s4 =	sadd.s32 $0x1312E00, s1;
	s5 =	sand.u32 $0x1, s5  }
0xa: {  	vm0 =	vmmov $0x1;
	vm1 =	vmmov $0x3;
	vm2 =	vmmov $0x7;
	s6 =	sshll.u32 s3, $0x7;
	_ =	strace $0x80000047;
	s10 =	ssub.s32 $0x2, s5  }
0xb: {  	vm3 =	vmmov $0xf;
	vm4 =	vmmov $0x1f;
	vm5 =	vmmov $0x3f;
	s11 =	sshll.u32 s5, $0x6;
	s5 =	sadd.s32 $0xF42400, s1;
	s12 =	sshrl.u32 s10, $0x1  }
0xc: {  	vm6 =	vmmov $0x7f;
	vm7 =	vmmov $0xff;
	vm8 =	vmmov $0x1ff;
	s11 =	sor.u32 s11, s6;
	s6 =	sadd.s32 $0x1EA00, s1;
	s10 =	ssub.s32 s10, s12  }
0xd: {  	vm9 =	vmmov $0x3ff;
	vm10 =	vmmov $0x7ff;
	vm11 =	vmmov $0xfff;
	s7 =	sadd.s32 s7, s11;
	s8 =	sadd.s32 s8, s11;
	s9 =	sadd.s32 s9, s11  }
0xe: {  	vm12 =	vmmov $0x1fff;
	vm13 =	vmmov $0x3fff;
	vm14 =	vmmov $0x7fff;
	s11 =	simm.s32 $0x2;
	s12 =	simm.s32 $0x200;
	s10 =	smax.u32 s10, $0x1  }
.LBB2_1:
0xf: {  	[tilespmem:s2], [sflag:$0x2] =	stream.linear.gather [hbm4b:s7+s2], $0x200, $0x38;
	[tilespmem:$0x8A00] =	vst v63  }
0x10: {  	_ =	swait.ge [sflag:s11], $0x200  }
0x11: {  	[sflag:s11] =	ssyncset.done $0x0  }
0x12: {  	[sflag:s11] =	ssyncadd.s32 $0xFFFFFE00  }
0x13: {  	[tilespmem:s12], [sflag:$0x2] =	stream.linear.gather [hbm4b:s8+s2], $0x200, $0x38;
	[tilespmem:$0x8A00] =	vst v63  }
0x14: {  	_ =	swait.ge [sflag:s11], $0x200  }
0x15: {  	[sflag:s11] =	ssyncset.done $0x0  }
0x16: {  	[sflag:s11] =	ssyncadd.s32 $0xFFFFFE00  }
0x17: {  	[tilespmem:s13], [sflag:$0x1] =	stream.indirect.gather [hbm4b:s4+s12], $0x20, s2, s12, $0xb8;
	[tilespmem:$0x8A00] =	vst v63  }
0x18: {  	_ = 	snop  }
0x19: {  	[tilespmem:s14], [sflag:$0x1] =	stream.indirect.gather [hbm4b:s5+s12], $0x20, s12, s12, $0xb8;
	[tilespmem:$0x8A00] =	vst v63  }
0x1a: {  	_ = 	snop  }
0x1b: {  	[tilespmem:s15], [sflag:$0x1] =	stream.indirect.gather [hbm4b:s6+s12], $0x1, s2, s12, $0xb8;
	[tilespmem:$0x8A00] =	vst v63  }
0x1c: {  	_ = 	snop  }
0x1d: {  	[tilespmem:s16], [sflag:$0x1] =	stream.indirect.gather [hbm4b:s1+s12], $0x1, s12, s12, $0xb8;
	[tilespmem:$0x8A00] =	vst v63  }
0x1e: {  	_ =	swait.ge [sflag:s17], $0x4000  }
0x1f: {  	[sflag:s17] =	ssyncset.done $0x0  }
0x20: {  	[sflag:s17] =	ssyncadd.s32 $0xFFFFC000  }
0x21: {  	_ =	swait.ge [sflag:s17], $0x4000  }
0x22: {  	[sflag:s17] =	ssyncset.done $0x0  }
0x23: {  	[sflag:s17] =	ssyncadd.s32 $0xFFFFC000  }
0x24: {  	_ =	swait.ge [sflag:s17], $0x200  }
0x25: {  	[sflag:s17] =	ssyncset.done $0x0  }
0x26: {  	[sflag:s17] =	ssyncadd.s32 $0xFFFFFE00  }
0x27: {  	_ =	swait.ge [sflag:s17], $0x200  }
0x28: {  	[sflag:s17] =	ssyncset.done $0x0  }
0x29: {  	s21 =	simm.s32 $0x500;
	[sflag:s17] =	ssyncadd.s32 $0xFFFFFE00  }
0x2a: {  	s20 =	simm.s32 $0x4500;
	v2 =	vld [tilespmem:s21+$0xC0]  }
0x2b: {  	v3 =	vld [tilespmem:s20+$0xC0]  }
0x2c: {  	v5 =	vld [tilespmem:s21+$0xD0]  }
0x2d: {  	v6 =	vld [tilespmem:s20+$0xD0]  }
0x2e: {  	v0 =	vld [tilespmem:s21+$0xA0]  }
0x2f: {  	v7 =	vld [tilespmem:s21+$0x80]  }
0x30: {  	v8 =	vld [tilespmem:s20+$0x80]  }
0x31: {  	v9 =	vld [tilespmem:s21+$0x90]  }
0x32: {  	v10 =	vld [tilespmem:s20+$0x90]  }
0x33: {  	v11 =	vld [tilespmem:s21+$0x60]  }
0x34: {  	v12 =	vld [tilespmem:s20+$0x60]  }
0x35: {  	v13 =	vld [tilespmem:s21+$0x70]  }
0x36: {  	v14 =	vld [tilespmem:s20+$0x70]  }
0x37: {  	v1 =	vld [tilespmem:s21+$0x40]  }
0x38: {  	v15 =	vld [tilespmem:s21+$0x20]  }
0x39: {  	v16 =	vld [tilespmem:s20+$0x20]  }
0x3a: {  	v17 =	vld [tilespmem:s21+$0x30]  }
0x3b: {  	v18 =	vld [tilespmem:s20+$0x30]  }
0x3c: {  	v19 =	vld [tilespmem:s21+$0x0]  }
0x3d: {  	v20 =	vld [tilespmem:s20+$0x0]  }
0x3e: {  	v21 =	vld [tilespmem:s21+$0x10]  }
0x3f: {  	v22 =	vld [tilespmem:s20+$0x10]  }
0x40: {  	v4 =	vld [tilespmem:s21+$0xFFFFFFE0]  }
0x41: {  	v23 =	vld [tilespmem:s21+$0xFFFFFFC0]  }
0x42: {  	v24 =	vld [tilespmem:s20+$0xFFFFFFC0];
	v2 =	vmul.f32 v3, v2;
	v3 =	vmul.f32 v6, v5  }
0x43: {  	v25 =	vld [tilespmem:s21+$0xFFFFFFD0]  }
0x44: {  	v26 =	vld [tilespmem:s20+$0xFFFFFFD0];
	v2 =	vadd.f32 v3, v2  }
0x45: {  	v27 =	vld [tilespmem:s21+$0xFFFFFFA0];
	v6 =	vmul.f32 v8, v7;
	v8 =	vmul.f32 v10, v9  }
0x46: {  	v28 =	vld [tilespmem:s20+$0xFFFFFFA0];
	(xrf2) =	vadd.scan.msk.f32 $0xffff, v2  }
0x47: {  	v29 =	vld [tilespmem:s21+$0xFFFFFFB0];
	v9 =	vmul.f32 v14, v13;
	v3 =	vmul.f32 v12, v11;
	v6 =	vadd.f32 v8, v6  }
0x48: {  	v5 =	vld [tilespmem:s20+$0xFFFFFFB0];
	v10 =	vmul.f32 v18, v17;
	v8 =	vmul.f32 v16, v15  }
0x49: {  	v7 =	vld [tilespmem:s21+$0xFFFFFF80];
	v2 =	vadd.f32 v9, v3;
	(xrf2) =	vadd.scan.msk.f32 $0xffff, v6  }
0x4a: {  	v13 =	vld [tilespmem:s20+$0xFFFFFF60];
	v6 =	vadd.f32 v10, v8  }
0x4b: {  	v14 =	vld [tilespmem:s20+$0xFFFFFF70];
	(xrf2) =	vadd.scan.msk.f32 $0xffff, v2  }
0x4c: {  	v17 =	vld [tilespmem:s21+$0xFFFFFF50];
	v2 =	vmul.f32 v20, v19;
	(xrf2) =	vadd.scan.msk.f32 $0xffff, v6;
	v6 =	vmul.f32 v22, v21  }
0x4d: {  	v18 =	vld [tilespmem:s20+$0xFFFFFF50]  }
0x4e: {  	v3 =	vld [tilespmem:s21+$0xFFFFFF70];
	v6 =	vadd.f32 v6, v2  }
0x4f: {  	v11 =	vld [tilespmem:s21+$0xFFFFFF60];
	v12 =	vmul.f32 v24, v23;
	v19 =	vmul.f32 v26, v25  }
0x50: {  	v15 =	vld [tilespmem:s21+$0xFFFFFF40];
	v2, _, _ =	vpop (xrf2);
	(xrf2) =	vadd.scan.msk.f32 $0xffff, v6  }
0x51: {  	v16 =	vld [tilespmem:s20+$0xFFFFFF40];
	v19 =	vadd.f32 v19, v12  }
0x52: {  	v62 =	vmul.f32 v28, v27;
	v9 =	vld [tilespmem:s21+$0xFFFFFF00];
	v5 =	vmul.f32 v5, v29  }
0x53: {  	v8 =	vld [tilespmem:s20+$0xFFFFFF00];
	v14 =	vmul.f32 v14, v3;
	v3, _, _ =	vpop (xrf2);
	(xrf2) =	vadd.scan.msk.f32 $0xffff, v19  }
0x54: {  	v10 =	vld [tilespmem:s21+$0xFFFFFF10];
	v6 =	vadd.f32 v5, v62  }
0x55: {  	v63 =	vmul.f32 v13, v11;
	v11 =	vld [tilespmem:s21+$0xFFFFFF20]  }
0x56: {  	v12 =	vld [tilespmem:s20+$0xFFFFFF10];
	v5, _, _ =	vpop (xrf2);
	(xrf2) =	vadd.scan.msk.f32 $0xffff, v6  }
0x57: {  	v13 =	vld [tilespmem:s20+$0xFFFFFF20];
	v19 =	vadd.f32 v14, v63  }
0x58: {  	v17 =	vmul.f32 v18, v17;
	v16 =	vmul.f32 v16, v15;
	v15 =	vld [tilespmem:s20+$0xFFFFFF30]  }
0x59: {  	s23 =	simm.s32 $0x40;
	s22 =	simm.s32 $0x0;
	v14 =	vld [tilespmem:s21+$0xFFFFFF30];
	v6, _, _ =	vpop (xrf2);
	(xrf2) =	vadd.scan.msk.f32 $0xffff, v19  }
.LBB2_2:
0x5a: {  	p0 =	sne.s32 s23, $0x7C0;
	v19 =	vadd.f32 v17, v16;
	v17 =	vld [tilespmem:s20+$0xFFFFFF80];
	v18, _, _ =	vpop (xrf2)  }
0x5b: {  	v8 =	vmul.f32 v8, v9;
	v9 =	vmul.f32 v12, v10;
	v10 =	vld [tilespmem:s21+$0xFFFFFF90]  }
0x5c: {  	v12 =	vld [tilespmem:s20+$0xFFFFFF90];
	(xrf2) =	vadd.scan.msk.f32 $0xffff, v19  }
0x5d: {  	v8 =	vadd.f32 v9, v8;
	v9 =	vld [tilespmem:s20+$0xFFFFFFE0];
	v16, _, _ =	vpop (xrf2)  }
0x5e: {  	v11 =	vmul.f32 v13, v11;
	v19 =	vmul.f32 v15, v14;
	v14 =	vld [tilespmem:s21+$0xFFFFFFF0]  }
0x5f: {  	v15 =	vld [tilespmem:s20+$0xFFFFFFF0];
	(xrf2) =	vadd.scan.msk.f32 $0xffff, v8  }
0x60: {  	v8 =	vadd.f32 v19, v11;
	v11 =	vld [tilespmem:s20+$0x40];
	v13, _, _ =	vpop (xrf2)  }
0x61: {  	v7 =	vmul.f32 v17, v7;
	v19 =	vmul.f32 v12, v10;
	v12 =	vld [tilespmem:s21+$0x50]  }
0x62: {  	v17 =	vld [tilespmem:s20+$0x50];
	(xrf2) =	vadd.scan.msk.f32 $0xffff, v8  }
0x63: {  	v7 =	vadd.f32 v19, v7;
	v8 =	vld [tilespmem:s20+$0xA0];
	v10, _, _ =	vpop (xrf2)  }
0x64: {  	v4 =	vmul.f32 v9, v4;
	v19 =	vmul.f32 v15, v14;
	v14 =	vld [tilespmem:s21+$0xB0]  }
0x65: {  	v15 =	vld [tilespmem:s20+$0xB0];
	(xrf2) =	vadd.scan.msk.f32 $0xffff, v7  }
0x66: {  	v4 =	vadd.f32 v19, v4;
	v7 =	vld [tilespmem:s21+$0xE0];
	v9, _, _ =	vpop (xrf2)  }
0x67: {  	v1 =	vmul.f32 v11, v1;
	v19 =	vmul.f32 v17, v12;
	v12 =	vld [tilespmem:s20+$0xE0]  }
0x68: {  	v17 =	vld [tilespmem:s21+$0xF0];
	(xrf2) =	vadd.scan.msk.f32 $0xffff, v4  }
0x69: {  	v1 =	vadd.f32 v19, v1;
	v4 =	vld [tilespmem:s20+$0xF0];
	v11, _, _ =	vpop (xrf2)  }
0x6a: {  	v0 =	vmul.f32 v8, v0;
	v8 =	vmul.f32 v15, v14  }
0x6b: {  	(xrf2) =	vadd.scan.msk.f32 $0xffff, v1  }
0x6c: {  	v0 =	vadd.f32 v8, v0;
	v1 =	vmul.f32 v12, v7;
	v7, _, _ =	vpop (xrf2)  }
0x6d: {  	v11 =	vbroadcast v11, $0xF;
	v7 =	vbroadcast v7, $0xF  }
0x6e: {  	v9 =	vbroadcast v9, $0xF;
	v4 =	vmul.f32 v4, v17;
	(xrf2) =	vadd.scan.msk.f32 $0xffff, v0  }
0x6f: {  	v0 =	vsel vm0, v11, v7;
	v7 =	vbroadcast v10, $0xF;
	v8, _, _ =	vpop (xrf2)  }
0x70: {  	v0 =	vsel vm1, v0, v9;
	v9 =	vbroadcast v8, $0xF;
	v1 =	vadd.f32 v4, v1  }
0x71: {  	v4 =	vbroadcast v13, $0xF;
	v0 =	vsel vm2, v0, v7  }
0x72: {  	v7 =	vbroadcast v16, $0xF;
	v0 =	vsel vm3, v0, v9;
	v8, _, _ =	vpop (xrf2);
	(xrf2) =	vadd.scan.msk.f32 $0xffff, v1  }
0x73: {  	v0 =	vsel vm4, v0, v4;
	v1 =	vbroadcast v8, $0xF  }
0x74: {  	v4 =	vbroadcast v18, $0xF;
	v0 =	vsel vm5, v0, v7  }
0x75: {  	v0 =	vsel vm6, v0, v1;
	v1 =	vbroadcast v6, $0xF;
	v6, _, _ =	vpop (xrf2)  }
0x76: {  	v0 =	vsel vm7, v0, v4;
	v6 =	vbroadcast v6, $0xF  }
0x77: {  	v0 =	vsel vm8, v0, v1;
	v1 =	vbroadcast v5, $0xF  }
0x78: {  	v3 =	vbroadcast v3, $0xF;
	s24 =	sshra.s32 s22, $0x2;
	s22 =	smov.u32 s23;
	v0 =	vsel vm9, v0, v6;
	v4, _, _ =	vpop (xrf2)  }
0x79: {  	v0 =	vsel vm10, v0, v1;
	v1 =	vbroadcast v4, $0xF;
	v4 =	vld [tilespmem:s24+$0x8400]  }
0x7a: {  	v0 =	vsel vm11, v0, v3;
	v3 =	vbroadcast v2, $0xF  }
0x7b: {  	v0 =	vsel vm12, v0, v1;
	v1 =	vld [tilespmem:s24+$0x8600]  }
0x7c: {  	v0 =	vsel vm13, v0, v3;
	v2, _, _ =	vpop (xrf2)  }
0x7d: {  	v0 =	vsel vm14, v0, v2  }
0x7e: {  	v0 =	vadd.f32 v0, v4;
	_ =	sdelay $0x1  }
0x7f: {  	v0 =	vadd.f32 v0, v1;
	_ =	sdelay $0x1  }
0x80: {  	v0 =	vmax.f32 v0, $0.0e+00  }
0x81: {  	v0 =	vmin.f32 v0, $5.000000000e+00  }
0x82: {  	s21 =	sadd.s32 $0x200, s21;
	[tilespmem:s24+$0x8800] =	vst v0  }
0x83: {  	s20 =	sadd.s32 $0x200, s20;
	v2 =	vld [tilespmem:s21+$0xC0]  }
0x84: {  	v3 =	vld [tilespmem:s20+$0xC0]  }
0x85: {  	v5 =	vld [tilespmem:s21+$0xD0]  }
0x86: {  	v6 =	vld [tilespmem:s20+$0xD0]  }
0x87: {  	v0 =	vld [tilespmem:s21+$0xA0]  }
0x88: {  	v7 =	vld [tilespmem:s21+$0x80]  }
0x89: {  	v8 =	vld [tilespmem:s20+$0x80]  }
0x8a: {  	v9 =	vld [tilespmem:s21+$0x90]  }
0x8b: {  	v10 =	vld [tilespmem:s20+$0x90]  }
0x8c: {  	v11 =	vld [tilespmem:s21+$0x60]  }
0x8d: {  	v12 =	vld [tilespmem:s20+$0x60]  }
0x8e: {  	v13 =	vld [tilespmem:s21+$0x70]  }
0x8f: {  	v14 =	vld [tilespmem:s20+$0x70]  }
0x90: {  	v1 =	vld [tilespmem:s21+$0x40]  }
0x91: {  	v15 =	vld [tilespmem:s21+$0x20]  }
0x92: {  	v16 =	vld [tilespmem:s20+$0x20]  }
0x93: {  	v17 =	vld [tilespmem:s21+$0x30]  }
0x94: {  	v18 =	vld [tilespmem:s20+$0x30]  }
0x95: {  	v19 =	vld [tilespmem:s21+$0x0]  }
0x96: {  	v20 =	vld [tilespmem:s20+$0x0]  }
0x97: {  	v21 =	vld [tilespmem:s21+$0x10]  }
0x98: {  	v22 =	vld [tilespmem:s20+$0x10]  }
0x99: {  	v2 =	vmul.f32 v3, v2;
	v3 =	vmul.f32 v6, v5;
	v4 =	vld [tilespmem:s21+$0xFFFFFFE0]  }
0x9a: {  	v5 =	vld [tilespmem:s21+$0xFFFFFFC0]  }
0x9b: {  	v2 =	vadd.f32 v3, v2;
	v6 =	vld [tilespmem:s20+$0xFFFFFFC0]  }
0x9c: {  	v7 =	vmul.f32 v8, v7;
	v8 =	vmul.f32 v10, v9;
	v3 =	vld [tilespmem:s21+$0xFFFFFFD0]  }
0x9d: {  	v9 =	vld [tilespmem:s20+$0xFFFFFFD0];
	(xrf2) =	vadd.scan.msk.f32 $0xffff, v2  }
0x9e: {  	v2 =	vadd.f32 v8, v7;
	v10 =	vld [tilespmem:s21+$0xFFFFFFA0]  }
0x9f: {  	v7 =	vmul.f32 v12, v11;
	v8 =	vmul.f32 v14, v13;
	v23 =	vld [tilespmem:s20+$0xFFFFFFA0]  }
0xa0: {  	v11 =	vld [tilespmem:s21+$0xFFFFFFB0];
	(xrf2) =	vadd.scan.msk.f32 $0xffff, v2  }
0xa1: {  	v2 =	vadd.f32 v8, v7;
	v12 =	vld [tilespmem:s20+$0xFFFFFFB0]  }
0xa2: {  	v13 =	vmul.f32 v18, v17;
	v8 =	vmul.f32 v16, v15;
	v7 =	vld [tilespmem:s21+$0xFFFFFF80]  }
0xa3: {  	v14 =	vld [tilespmem:s21+$0xFFFFFF60];
	(xrf2) =	vadd.scan.msk.f32 $0xffff, v2  }
0xa4: {  	v24 =	vadd.f32 v13, v8;
	v15 =	vld [tilespmem:s20+$0xFFFFFF60]  }
0xa5: {  	v16 =	vmul.f32 v22, v21;
	v8 =	vmul.f32 v20, v19;
	v13 =	vld [tilespmem:s21+$0xFFFFFF70]  }
0xa6: {  	v17 =	vld [tilespmem:s20+$0xFFFFFF70];
	(xrf2) =	vadd.scan.msk.f32 $0xffff, v24  }
0xa7: {  	v8 =	vadd.f32 v16, v8;
	v18 =	vld [tilespmem:s21+$0xFFFFFF40];
	v2, _, _ =	vpop (xrf2)  }
0xa8: {  	v5 =	vmul.f32 v6, v5;
	v6 =	vmul.f32 v9, v3;
	v16 =	vld [tilespmem:s20+$0xFFFFFF40]  }
0xa9: {  	v19 =	vld [tilespmem:s21+$0xFFFFFF50];
	(xrf2) =	vadd.scan.msk.f32 $0xffff, v8  }
0xaa: {  	v21 =	vadd.f32 v6, v5;
	v20 =	vld [tilespmem:s20+$0xFFFFFF50];
	v3, _, _ =	vpop (xrf2)  }
0xab: {  	v6 =	vmul.f32 v23, v10;
	v11 =	vmul.f32 v12, v11;
	v8 =	vld [tilespmem:s20+$0xFFFFFF00]  }
0xac: {  	v9 =	vld [tilespmem:s21+$0xFFFFFF00];
	(xrf2) =	vadd.scan.msk.f32 $0xffff, v21  }
0xad: {  	v22 =	vadd.f32 v11, v6;
	v10 =	vld [tilespmem:s21+$0xFFFFFF10];
	v5, _, _ =	vpop (xrf2)  }
.Ltmp0:
0xae: {  	v14 =	vmul.f32 v15, v14;
	v15 =	vmul.f32 v17, v13;
	v12 =	vld [tilespmem:s20+$0xFFFFFF10];
	(pc) =	sbr.rel @p0 .LBB2_2-.Ltmp0, $4  }
0xaf: {  	v11 =	vld [tilespmem:s21+$0xFFFFFF20];
	(xrf2) =	vadd.scan.msk.f32 $0xffff, v22  }
0xb0: {  	v21 =	vadd.f32 v15, v14;
	v13 =	vld [tilespmem:s20+$0xFFFFFF20];
	v6, _, _ =	vpop (xrf2)  }
0xb1: {  	v16 =	vmul.f32 v16, v18;
	v17 =	vmul.f32 v20, v19;
	v14 =	vld [tilespmem:s21+$0xFFFFFF30]  }
0xb2: {  	s23 =	sadd.s32 $0x40, s23;
	v15 =	vld [tilespmem:s20+$0xFFFFFF30];
	(xrf2) =	vadd.scan.msk.f32 $0xffff, v21  }
0xb3: {  	v18 =	vld [tilespmem:s20+$0xFFFFFF80]  }
0xb4: {  	v19 =	vld [tilespmem:s21+$0xFFFFFF90]  }
0xb5: {  	v20 =	vld [tilespmem:s20+$0xFFFFFF90]  }
0xb6: {  	v8 =	vmul.f32 v8, v9;
	v62 =	vmul.f32 v12, v10;
	v63 =	vld [tilespmem:s20+$0xFFFFFFE0]  }
0xb7: {  	v17 =	vadd.f32 v17, v16;
	v22 =	vld [tilespmem:s21+$0xFFFFFFF0];
	v11 =	vmul.f32 v13, v11;
	v21 =	vmul.f32 v15, v14  }
0xb8: {  	v23 =	vld [tilespmem:s20+$0xFFFFFFF0];
	v8 =	vadd.f32 v62, v8  }
0xb9: {  	v24 =	vld [tilespmem:s20+$0x40];
	(xrf2) =	vadd.scan.msk.f32 $0xffff, v17;
	v11 =	vadd.f32 v21, v11  }
0xba: {  	v26 =	vld [tilespmem:s21+$0x50];
	(xrf2) =	vadd.scan.msk.f32 $0xffff, v8;
	v7 =	vmul.f32 v18, v7;
	v25 =	vmul.f32 v20, v19  }
0xbb: {  	v27 =	vld [tilespmem:s20+$0x50];
	(xrf2) =	vadd.scan.msk.f32 $0xffff, v11  }
0xbc: {  	v28 =	vld [tilespmem:s20+$0xA0];
	v7 =	vadd.f32 v25, v7  }
0xbd: {  	v29 =	vld [tilespmem:s21+$0xB0];
	v4 =	vmul.f32 v63, v4;
	v9 =	vmul.f32 v23, v22  }
0xbe: {  	v30 =	vld [tilespmem:s20+$0xB0];
	(xrf2) =	vadd.scan.msk.f32 $0xffff, v7  }
0xbf: {  	v31, _, _ =	vpop (xrf2);
	v32 =	vld [tilespmem:s21+$0xE0];
	v4 =	vadd.f32 v9, v4  }
0xc0: {  	v35 =	vld [tilespmem:s20+$0xE0];
	v33, _, _ =	vpop (xrf2);
	v1 =	vmul.f32 v24, v1;
	v34 =	vmul.f32 v27, v26  }
0xc1: {  	v37 =	vld [tilespmem:s21+$0xF0];
	v36, _, _ =	vpop (xrf2);
	(xrf2) =	vadd.scan.msk.f32 $0xffff, v4  }
0xc2: {  	v39 =	vld [tilespmem:s20+$0xF0];
	v1 =	vadd.f32 v34, v1;
	v38, _, _ =	vpop (xrf2)  }
0xc3: {  	v0 =	vmul.f32 v28, v0;
	v41 =	vmul.f32 v30, v29;
	v40, _, _ =	vpop (xrf2)  }
0xc4: {  	(xrf2) =	vadd.scan.msk.f32 $0xffff, v1;
	v42, _, _ =	vpop (xrf2)  }
0xc5: {  	v43 =	vmul.f32 v35, v32;
	v0 =	vadd.f32 v41, v0;
	v44, _, _ =	vpop (xrf2)  }
0xc6: {  	v45 =	vbroadcast v42, $0xF;
	v8 =	vbroadcast v44, $0xF  }
0xc7: {  	v47 =	vmul.f32 v39, v37;
	(xrf2) =	vadd.scan.msk.f32 $0xffff, v0;
	v46 =	vbroadcast v40, $0xF  }
0xc8: {  	v4 =	vbroadcast v38, $0xF;
	v49, _, _ =	vpop (xrf2);
	v48 =	vsel vm0, v45, v8  }
0xc9: {  	v1 =	vadd.f32 v47, v43;
	v8 =	vbroadcast v49, $0xF;
	v0 =	vsel vm1, v48, v46  }
0xca: {  	v50 =	vbroadcast v36, $0xF;
	v0 =	vsel vm2, v0, v4  }
0xcb: {  	v51 =	vbroadcast v33, $0xF;
	v52, _, _ =	vpop (xrf2);
	(xrf2) =	vadd.scan.msk.f32 $0xffff, v1;
	v0 =	vsel vm3, v0, v8  }
0xcc: {  	v53 =	vbroadcast v52, $0xF;
	v0 =	vsel vm4, v0, v50  }
0xcd: {  	v54 =	vbroadcast v31, $0xF;
	v0 =	vsel vm5, v0, v51  }
0xce: {  	v55 =	vbroadcast v6, $0xF;
	v56, _, _ =	vpop (xrf2);
	v0 =	vsel vm6, v0, v53  }
0xcf: {  	v57 =	vbroadcast v56, $0xF;
	v0 =	vsel vm7, v0, v54  }
0xd0: {  	v58 =	vbroadcast v5, $0xF;
	v0 =	vsel vm8, v0, v55  }
0xd1: {  	v3 =	vbroadcast v3, $0xF;
	s31 =	sshra.s32 s22, $0x2;
	v59, _, _ =	vpop (xrf2);
	v0 =	vsel vm9, v0, v57  }
0xd2: {  	v61 =	vld [tilespmem:s31+$0x8400];
	v60 =	vbroadcast v59, $0xF;
	v0 =	vsel vm10, v0, v58  }
0xd3: {  	v2 =	vbroadcast v2, $0xF;
	v0 =	vsel vm11, v0, v3  }
0xd4: {  	v62 =	vld [tilespmem:s31+$0x8600];
	v0 =	vsel vm12, v0, v60  }
0xd5: {  	v63, _, _ =	vpop (xrf2);
	v0 =	vsel vm13, v0, v2  }
0xd6: {  	v0 =	vsel vm14, v0, v63  }
0xd7: {  	v0 =	vadd.f32 v0, v61;
	_ =	sdelay $0x1  }
0xd8: {  	v0 =	vadd.f32 v0, v62;
	_ =	sdelay $0x1  }
0xd9: {  	s19 =	sadd.s32 $0x1, s19;
	v0 =	vmax.f32 v0, $0.0e+00  }
0xda: {  	p0 =	sne.s32 s19, s10;
	v0 =	vmin.f32 v0, $5.000000000e+00  }
.Ltmp1:
0xdb: {  	[tilespmem:s31+$0x8800] =	vst v0;
	(pc) =	sbr.rel @p0 .LBB2_1-.Ltmp1, $4  }
0xdc: {  	[hbm4b:s9+s2] =	stream.linear.scatter [tilespmem:s18], [sflag:$0x2], $0x200, $0x38;
	[tilespmem:$0x8A00] =	vst v63  }
0xdd: {  	_ =	swait.ge [sflag:s11], $0x200  }
0xde: {  	[sflag:s11] =	ssyncset.done $0x0  }
0xdf: {  	[sflag:s11] =	ssyncadd.s32 $0xFFFFFE00  }
0xe0: {  	_ =	sfence.sel $0x180000  }
0xe1: {  	[bflag:$0x0] =	sbarrier.arrive $0xFFFF  }
0xe2: {  	p0 =	sne.s32 s3, $0x0;
	_ =	strace $0x90000047  }
0xe3: {  	s0 =	sadd.s32 @!p0 $0x100000, s0;
	[bflag:$0x2] =	sbarrier.arrive $0xFFFF  }
0xe4: {  	[sflag:s0] =	ssyncadd.tile.s32 @!p0 $0x1;
	_ =	shalt  }
.Lfunc_end2:
_tile_overlayer_lowered:
.L_overlay_start_2:
0xe5: {  	(tag) =	ssettag $0x2  }
0xe6: {  	s0 =	rddreg [dreg:$0x0];
	s2 =	stileid.u32  }
0xe7: {  	s1 =	rddreg [dreg:$0x1];
	p0 =	sne.s32 s2, $0x0  }
0xe8: {  	s3 =	rddreg [dreg:$0x2];
	[bflag:$0x3] =	sbarrier.arrive $0xFFFF;
	s2 =	simm.s32 @!p0 $0x1C02  }
0xe9: {  	[timem:s3], [sflag:s2] =	dma.local @!p0 [hbm:s0], s1  }
0xea: {  	s0 =	simm.s32 @!p0 $0x2  }
0xeb: {  	_ =	swait.ge @!p0 [sflag:s0], s1  }
0xec: {  	s1 =	ssub.s32 @!p0 $0x0, s1;
	[sflag:s0] =	ssyncset.done @!p0 $0x0  }
0xed: {  	[sflag:s0] =	ssyncadd.s32 @!p0 s1  }
0xee: {  	[bflag:$0x3] =	sbarrier.arrive $0xFFFF  }
0xef: {  	_ =	shalt  }

</sc_bundles>
